<compile_context>
chip_gen: v7x
topology: tpu7x:2x2x1
jax: 0.10.2.dev20260603
libtpu: 0.0.44.dev20260713+nightly
codegen_flags: <defaults>
</compile_context>

<pallas_src>
import functools

import jax
import jax.numpy as jnp
from jax import lax
from jax.experimental import pallas as pl
from jax.experimental.pallas import tpu as pltpu
from jax.experimental.pallas import tpu_sc as plsc

NC = 2
NS = 16
CHUNK = 128
F = 128


def _round_up(n, m):
    return ((n + m - 1) // m) * m


@functools.cache
def _sc_scatter(M, N_nodes, e_core):
    rows_sub = N_nodes // NS
    e_sub = e_core // NS
    chunks = e_sub // CHUNK
    assert N_nodes % (NS * 8) == 0 and e_core % (NS * CHUNK) == 0

    mesh = plsc.VectorSubcoreMesh(core_axis_name="c", subcore_axis_name="s",
                                  num_cores=NC, num_subcores=NS)

    @functools.partial(
        pl.kernel,
        out_type=jax.ShapeDtypeStruct((2 * N_nodes, F), jnp.float32),
        mesh=mesh,
        scratch_types=[
            pltpu.VMEM((CHUNK,), jnp.int32),
            pltpu.VMEM((CHUNK,), jnp.int32),
            pltpu.VMEM((CHUNK, F), jnp.float32),
            pltpu.VMEM_SHARED((N_nodes, F), jnp.float32),
            pltpu.SemaphoreType.DMA,
        ],
    )
    def scatter_kernel(h_hbm, src_hbm, dst_hbm, init_hbm, out_hbm,
                       sidx, didx, rows, acc, sem):
        c = lax.axis_index("c")
        s = lax.axis_index("s")
        row0 = c * N_nodes + s * rows_sub
        pltpu.sync_copy(init_hbm.at[pl.ds(row0, rows_sub)],
                        acc.at[pl.ds(s * rows_sub, rows_sub)])
        plsc.subcore_barrier()

        ebase = c * e_core + s * e_sub

        def body(i, carry):
            off = ebase + i * CHUNK
            pltpu.sync_copy(src_hbm.at[pl.ds(off, CHUNK)], sidx)
            pltpu.sync_copy(dst_hbm.at[pl.ds(off, CHUNK)], didx)
            pltpu.async_copy(h_hbm.at[sidx], rows, sem).wait()
            pltpu.sync_copy(rows, acc.at[didx], add=True)
            return carry

        lax.fori_loop(0, chunks, body, 0)
        plsc.subcore_barrier()
        pltpu.sync_copy(acc.at[pl.ds(s * rows_sub, rows_sub)],
                        out_hbm.at[pl.ds(row0, rows_sub)])

    return scatter_kernel


@functools.cache
def _sc_gather(n_rows, B):
    b_per_w = B // (NC * NS)
    chunks = b_per_w // CHUNK
    assert B % (NC * NS * CHUNK) == 0

    mesh = plsc.VectorSubcoreMesh(core_axis_name="c", subcore_axis_name="s",
                                  num_cores=NC, num_subcores=NS)

    @functools.partial(
        pl.kernel,
        out_type=jax.ShapeDtypeStruct((B, F), jnp.float32),
        mesh=mesh,
        scratch_types=[
            pltpu.VMEM((CHUNK,), jnp.int32),
            pltpu.VMEM((CHUNK, F), jnp.float32),
            pltpu.SemaphoreType.DMA,
        ],
    )
    def gather_kernel(tab_hbm, idx_hbm, out_hbm, idxv, rows, sem):
        wid = lax.axis_index("s") * NC + lax.axis_index("c")
        base = wid * b_per_w

        def body(i, carry):
            off = base + i * CHUNK
            pltpu.sync_copy(idx_hbm.at[pl.ds(off, CHUNK)], idxv)
            pltpu.async_copy(tab_hbm.at[idxv], rows, sem).wait()
            pltpu.sync_copy(rows, out_hbm.at[pl.ds(off, CHUNK)])
            return carry

        lax.fori_loop(0, chunks, body, 0)

    return gather_kernel


def _tc1_body(p_ref, w_ref, b_ref, o_ref):
    a = p_ref[0] + p_ref[1]
    h = jnp.dot(a, w_ref[...], preferred_element_type=jnp.float32)
    h = jnp.maximum(h + b_ref[...], 0.0)
    o_ref[0] = h[:, :F]
    o_ref[1] = h[:, F:]


def _tc_layer1(P, W1, b1, n, R=2000):
    npad = P.shape[1]
    return pl.pallas_call(
        _tc1_body,
        grid=(n // R,),
        in_specs=[
            pl.BlockSpec((2, R, F), lambda i: (0, i, 0)),
            pl.BlockSpec(W1.shape, lambda i: (0, 0)),
            pl.BlockSpec((1, 2 * F), lambda i: (0, 0)),
        ],
        out_specs=pl.BlockSpec((2, R, F), lambda i: (0, i, 0)),
        out_shape=jax.ShapeDtypeStruct((2, npad, F), jnp.float32),
    )(P, W1, b1.reshape(1, -1))


def _tc2_body(a_ref, w2_ref, b2_ref, w3_ref, o_ref):
    w2 = w2_ref[...]
    h2 = (jnp.dot(a_ref[0], w2[:F], preferred_element_type=jnp.float32)
          + jnp.dot(a_ref[1], w2[F:], preferred_element_type=jnp.float32))
    h2 = jnp.maximum(h2 + b2_ref[...], 0.0)
    o_ref[...] = jnp.dot(h2, w3_ref[...], preferred_element_type=jnp.float32)


def _tc_layer23(A, W2, b2, W3, n, R=2000):
    npad = A.shape[1]
    return pl.pallas_call(
        _tc2_body,
        grid=(n // R,),
        in_specs=[
            pl.BlockSpec((2, R, F), lambda i: (0, i, 0)),
            pl.BlockSpec(W2.shape, lambda i: (0, 0)),
            pl.BlockSpec((1, 2 * F), lambda i: (0, 0)),
            pl.BlockSpec(W3.shape, lambda i: (0, 0)),
        ],
        out_specs=pl.BlockSpec((R, F), lambda i: (i, 0)),
        out_shape=jax.ShapeDtypeStruct((npad, F), jnp.float32),
    )(A, W2, b2.reshape(1, -1), W3)


def _tc3_body(q_ref, r_ref, w1_ref, b1_ref, w2_ref, b2_ref, w3_ref, b3_ref,
              o_ref):
    p = q_ref[...] * r_ref[...]
    z = jnp.dot(p, w1_ref[...], preferred_element_type=jnp.float32)
    z = jnp.maximum(z + b1_ref[...], 0.0)
    z = jnp.dot(z, w2_ref[...], preferred_element_type=jnp.float32)
    z = jnp.maximum(z + b2_ref[...], 0.0)
    z = jnp.dot(z, w3_ref[...], preferred_element_type=jnp.float32)
    o_ref[...] = jax.nn.sigmoid(z + b3_ref[...])


def _tc_mlp(G, PW1, Pb1, PW2, Pb2, PW3p, Pb3p, R=2048):
    t2 = G.shape[0]
    tp = t2 // 2
    nb = tp // R
    wcols = PW3p.shape[1]
    return pl.pallas_call(
        _tc3_body,
        grid=(nb,),
        in_specs=[
            pl.BlockSpec((R, F), lambda i: (i, 0)),
            pl.BlockSpec((R, F), lambda i: (i + nb, 0)),
            pl.BlockSpec(PW1.shape, lambda i: (0, 0)),
            pl.BlockSpec((1, 2 * F), lambda i: (0, 0)),
            pl.BlockSpec(PW2.shape, lambda i: (0, 0)),
            pl.BlockSpec((1, 2 * F), lambda i: (0, 0)),
            pl.BlockSpec(PW3p.shape, lambda i: (0, 0)),
            pl.BlockSpec((1, wcols), lambda i: (0, 0)),
        ],
        out_specs=pl.BlockSpec((R, wcols), lambda i: (i, 0)),
        out_shape=jax.ShapeDtypeStruct((tp, wcols), jnp.float32),
    )(G, G, PW1, Pb1.reshape(1, -1), PW2, Pb2.reshape(1, -1), PW3p,
      Pb3p.reshape(1, -1))


def kernel(x, adj_t, train_edges, W1, b1, W2, b2, W3, b3,
           PW1, Pb1, PW2, Pb2, PW3, Pb3):
    n, d_in = x.shape
    e = adj_t.shape[1]
    t = train_edges.shape[0]
    assert d_in == F
    n_pad = _round_up(n, NS * 8)

    src, dst = adj_t[0], adj_t[1]

    ec = e // 2
    ec_pad = _round_up(ec, NS * CHUNK)
    pe = ec_pad - ec
    src_es = jnp.concatenate(
        [src.reshape(2, ec), jnp.zeros((2, pe), jnp.int32)], axis=1).reshape(-1)
    dst_es = jnp.concatenate(
        [dst.reshape(2, ec), jnp.full((2, pe), n, jnp.int32)], axis=1).reshape(-1)

    e_pad = _round_up(e, NS * CHUNK)
    pf = e_pad - e
    src_p = jnp.concatenate([src, jnp.zeros((pf,), jnp.int32)])
    dst_p = jnp.concatenate([dst, jnp.full((pf,), n, jnp.int32)])
    src_fs = jnp.concatenate([src_p, src_p + n_pad])
    dst_fs = jnp.concatenate([dst_p, dst_p])

    zeros_init = jnp.zeros((2 * n_pad, F), jnp.float32)

    P1 = _sc_scatter(n, n_pad, ec_pad)(x, src_es, dst_es, zeros_init)
    h1 = _tc_layer1(P1.reshape(2, n_pad, F), W1, b1, n)

    A1 = _sc_scatter(2 * n_pad, n_pad, e_pad)(h1.reshape(2 * n_pad, F),
                                              src_fs, dst_fs, zeros_init)
    m3 = _tc_layer23(A1.reshape(2, n_pad, F), W2, b2, W3, n)

    init3 = jnp.concatenate(
        [jnp.broadcast_to(b3, (n_pad, F)), jnp.zeros((n_pad, F), jnp.float32)])
    P3 = _sc_scatter(n, n_pad, ec_pad)(m3, src_es, dst_es, init3)
    P3 = P3.reshape(2, n_pad, F)
    emb = P3[0] + P3[1]

    t_pad = _round_up(t, NC * NS * CHUNK)
    pt = t_pad - t
    se = jnp.concatenate([train_edges[:, 0], jnp.zeros((pt,), jnp.int32)])
    de = jnp.concatenate([train_edges[:, 1], jnp.zeros((pt,), jnp.int32)])
    gidx = jnp.concatenate([se, de])
    G = _sc_gather(n_pad, 2 * t_pad)(emb, gidx)

    PW3p = jnp.pad(PW3, ((0, 0), (0, 8 - PW3.shape[1])))
    Pb3p = jnp.pad(Pb3, (0, 8 - Pb3.shape[0]))
    p = _tc_mlp(G, PW1, Pb1, PW2, Pb2, PW3p, Pb3p)

    return p[:t, :PW3.shape[1]][None]

# --- scband reference (transcript-rebuilt; emitter-appended) ---
"""Pipeline reference for scband-gcn-85547158602279 (READ-ONLY COPY).

The authoritative reference and input builder live on the scoring server;
editing this copy changes nothing except your own understanding.
"""

import jax, jax.numpy as jnp
import numpy as np

N_NODES = 10000
N_EDGES = 320000
N_TRAIN = 100000
D_IN, D_HID, D_OUT, D_FEAT = 128, 256, 128, 2


def _glorot(key, shape):
    fan_in, fan_out = shape[0], shape[1]
    lim = float(np.sqrt(6.0 / (fan_in + fan_out)))
    return jax.random.uniform(key, shape, dtype=jnp.float32, minval=-lim, maxval=lim)


def setup_inputs(seed: int = 0) -> dict:
    key = jax.random.key(seed)
    ks = jax.random.split(key, 16)
    x = jax.random.normal(ks[0], (N_NODES, D_IN), dtype=jnp.float32)
    adj_t = jax.random.randint(ks[1], (2, N_EDGES), 0, N_NODES, dtype=jnp.int32)
    train_edges = jax.random.randint(ks[2], (N_TRAIN, 2), 0, N_NODES, dtype=jnp.int32)
    # GCNConv weights (normalize=False => out = scatter_add(x @ W over edges) + b)
    W1 = _glorot(ks[3], (D_IN, D_HID));  b1 = jnp.zeros((D_HID,), jnp.float32)
    W2 = _glorot(ks[4], (D_HID, D_HID)); b2 = jnp.zeros((D_HID,), jnp.float32)
    W3 = _glorot(ks[5], (D_HID, D_OUT)); b3 = jnp.zeros((D_OUT,), jnp.float32)
    # LinkPredictor MLP: in=D_OUT -> hidden -> hidden -> feature_dim
    PW1 = _glorot(ks[6], (D_OUT, D_HID)); Pb1 = jnp.zeros((D_HID,), jnp.float32)
    PW2 = _glorot(ks[7], (D_HID, D_HID)); Pb2 = jnp.zeros((D_HID,), jnp.float32)
    PW3 = _glorot(ks[8], (D_HID, D_FEAT)); Pb3 = jnp.zeros((D_FEAT,), jnp.float32)
    return {"x": x, "adj_t": adj_t, "train_edges": train_edges,
            "W1": W1, "b1": b1, "W2": W2, "b2": b2, "W3": W3, "b3": b3,
            "PW1": PW1, "Pb1": Pb1, "PW2": PW2, "Pb2": Pb2, "PW3": PW3, "Pb3": Pb3}


def _gcn_conv(x, src, dst, W, b):
    h = x @ W
    out = jnp.zeros((x.shape[0], W.shape[1]), dtype=h.dtype).at[dst].add(h[src])
    return out + b


def reference(x, adj_t, train_edges, W1, b1, W2, b2, W3, b3, PW1, Pb1, PW2, Pb2, PW3, Pb3):
    # eval mode: dropout is identity
    src, dst = adj_t[0], adj_t[1]
    h = _gcn_conv(x, src, dst, W1, b1)
    h = jax.nn.relu(h)
    h = _gcn_conv(h, src, dst, W2, b2)
    h = jax.nn.relu(h)
    emb = _gcn_conv(h, src, dst, W3, b3)
    # link predictor on (src_idx, dst_idx) pairs
    src_idx = train_edges[:, 0]
    dst_idx = train_edges[:, 1]
    p = emb[src_idx] * emb[dst_idx]
    p = jax.nn.relu(p @ PW1 + Pb1)
    p = jax.nn.relu(p @ PW2 + Pb2)
    p = jax.nn.sigmoid(p @ PW3 + Pb3)
    return p[None, :, :]

if __name__ == "__main__":
    import jax
    _d = setup_inputs()
    print(jax.jit(kernel)(*tuple(_d.values())))

</pallas_src>

<mosaic_0001>
#map = affine_map<(d0, d1) -> (0, 0)>
#map1 = affine_map<(d0, d1) -> (0)>
module attributes {stable_mosaic.version = 14 : i64} {
  func.func @scatter_kernel(%arg0: i32, %arg1: i32, %arg2: memref<10000x128xf32, #tpu.memory_space<hbm>>, %arg3: memref<323584xi32, #tpu.memory_space<hbm>>, %arg4: memref<323584xi32, #tpu.memory_space<hbm>>, %arg5: memref<20224x128xf32, #tpu.memory_space<hbm>>, %arg6: memref<20224x128xf32, #tpu.memory_space<hbm>>, %arg7: memref<128xi32, #tpu.memory_space<vmem>>, %arg8: memref<128xi32, #tpu.memory_space<vmem>>, %arg9: memref<128x128xf32, #tpu.memory_space<vmem>>, %arg10: memref<10112x128xf32, #tpu.memory_space<vmem_shared>>, %arg11: memref<!tpu.dma_semaphore, #tpu.memory_space<semaphore_mem>>) attributes {dimension_semantics = [#tpu.dimension_semantics<core_parallel>, #tpu.dimension_semantics<subcore_parallel>], iteration_bounds = array<i64: 2, 16>, scalar_prefetch = 0 : i64, scratch_operands = 5 : i64, tpu.core_type = #tpu.core_type<sc_vector_subcore>, window_params = [{transform_indices = #map}, {transform_indices = #map1}, {transform_indices = #map1}, {transform_indices = #map}, {transform_indices = #map}]} {
    %mul3A = arith.constant 10112 : i32
    %mul3A_0 = arith.muli %arg0, %mul3A : i32
    %mul3A_1 = arith.constant 632 : i32
    %mul3A_2 = arith.muli %arg1, %mul3A_1 : i32
    %add3A = arith.addi %mul3A_0, %mul3A_2 : i32
    %mul3A_3 = arith.constant 632 : i32
    %mul3A_4 = arith.muli %arg1, %mul3A_3 : i32
    "tpu.region"() ({
      %run_scoped3A = tpu.sem_alloc : memref<!tpu.dma_semaphore, #tpu.memory_space<semaphore_mem>>
      %dma_start3A = arith.constant 0 : i32
      %dma_start3A_18 = tpu.memref_slice %arg10[%mul3A_4, %dma_start3A] : memref<10112x128xf32, #tpu.memory_space<vmem_shared>> -> memref<632x128xf32, #tpu.memory_space<vmem_shared>>
      %dma_start3A_19 = arith.constant 0 : i32
      %dma_start3A_20 = tpu.memref_slice %arg5[%add3A, %dma_start3A_19] : memref<20224x128xf32, #tpu.memory_space<hbm>> -> memref<632x128xf32, #tpu.memory_space<hbm>>
      tpu.enqueue_dma source(%dma_start3A_20 : memref<632x128xf32, #tpu.memory_space<hbm>>) target(%dma_start3A_18 : memref<632x128xf32, #tpu.memory_space<vmem_shared>>) target_semaphore(%run_scoped3A : memref<!tpu.dma_semaphore, #tpu.memory_space<semaphore_mem>>)
      %dma_wait3A = arith.constant 0 : i32
      %dma_wait3A_21 = tpu.memref_slice %arg10[%mul3A_4, %dma_wait3A] : memref<10112x128xf32, #tpu.memory_space<vmem_shared>> -> memref<632x128xf32, #tpu.memory_space<vmem_shared>>
      %dma_wait3A_22 = arith.constant 0 : i32
      %dma_wait3A_23 = tpu.memref_slice %arg5[%add3A, %dma_wait3A_22] : memref<20224x128xf32, #tpu.memory_space<hbm>> -> memref<632x128xf32, #tpu.memory_space<hbm>>
      tpu.wait_dma2 semaphore(%run_scoped3A : memref<!tpu.dma_semaphore, #tpu.memory_space<semaphore_mem>>) src(%dma_wait3A_23 : memref<632x128xf32, #tpu.memory_space<hbm>>) dst(%dma_wait3A_21 : memref<632x128xf32, #tpu.memory_space<vmem_shared>>)
      tpu.yield
    }) : () -> ()
    %barrier3A = arith.constant 0 : index
    tpu.barrier barrier_id(%barrier3A)
    %mul3A_5 = arith.constant 161792 : i32
    %mul3A_6 = arith.muli %arg0, %mul3A_5 : i32
    %mul3A_7 = arith.constant 10112 : i32
    %mul3A_8 = arith.muli %arg1, %mul3A_7 : i32
    %add3A_9 = arith.addi %mul3A_6, %mul3A_8 : i32
    %scan3A = arith.constant 0 : i32
    %scan3A_10 = arith.constant 0 : i32
    %scan3A_11 = arith.constant 79 : i32
    %scan3A_12 = arith.addi %scan3A_10, %scan3A_11 : i32
    %scan3A_13 = arith.constant 1 : i32
    scf.for %scan3A_18 = %scan3A_10 to %scan3A_12 step %scan3A_13  : i32 {
      %mul3A_19 = arith.constant 128 : i32
      %mul3A_20 = arith.muli %scan3A_18, %mul3A_19 : i32
      %add3A_21 = arith.addi %add3A_9, %mul3A_20 : i32
      "tpu.region"() ({
        %run_scoped3A = tpu.sem_alloc : memref<!tpu.dma_semaphore, #tpu.memory_space<semaphore_mem>>
        %dma_start3A_26 = tpu.memref_slice %arg3[%add3A_21] : memref<323584xi32, #tpu.memory_space<hbm>> -> memref<128xi32, #tpu.memory_space<hbm>>
        %dma_start3A_27 = tpu.memref_slice %arg3[%add3A_21] : memref<323584xi32, #tpu.memory_space<hbm>> -> memref<128xi32, #tpu.memory_space<hbm>>
        tpu.enqueue_dma source(%dma_start3A_27 : memref<128xi32, #tpu.memory_space<hbm>>) target(%arg7 : memref<128xi32, #tpu.memory_space<vmem>>) target_semaphore(%run_scoped3A : memref<!tpu.dma_semaphore, #tpu.memory_space<semaphore_mem>>)
        %dma_wait3A_28 = tpu.memref_slice %arg3[%add3A_21] : memref<323584xi32, #tpu.memory_space<hbm>> -> memref<128xi32, #tpu.memory_space<hbm>>
        %dma_wait3A_29 = tpu.memref_slice %arg3[%add3A_21] : memref<323584xi32, #tpu.memory_space<hbm>> -> memref<128xi32, #tpu.memory_space<hbm>>
        tpu.wait_dma2 semaphore(%run_scoped3A : memref<!tpu.dma_semaphore, #tpu.memory_space<semaphore_mem>>) src(%dma_wait3A_29 : memref<128xi32, #tpu.memory_space<hbm>>) dst(%arg7 : memref<128xi32, #tpu.memory_space<vmem>>)
        tpu.yield
      }) : () -> ()
      "tpu.region"() ({
        %run_scoped3A = tpu.sem_alloc : memref<!tpu.dma_semaphore, #tpu.memory_space<semaphore_mem>>
        %dma_start3A_26 = tpu.memref_slice %arg4[%add3A_21] : memref<323584xi32, #tpu.memory_space<hbm>> -> memref<128xi32, #tpu.memory_space<hbm>>
        %dma_start3A_27 = tpu.memref_slice %arg4[%add3A_21] : memref<323584xi32, #tpu.memory_space<hbm>> -> memref<128xi32, #tpu.memory_space<hbm>>
        tpu.enqueue_dma source(%dma_start3A_27 : memref<128xi32, #tpu.memory_space<hbm>>) target(%arg8 : memref<128xi32, #tpu.memory_space<vmem>>) target_semaphore(%run_scoped3A : memref<!tpu.dma_semaphore, #tpu.memory_space<semaphore_mem>>)
        %dma_wait3A_28 = tpu.memref_slice %arg4[%add3A_21] : memref<323584xi32, #tpu.memory_space<hbm>> -> memref<128xi32, #tpu.memory_space<hbm>>
        %dma_wait3A_29 = tpu.memref_slice %arg4[%add3A_21] : memref<323584xi32, #tpu.memory_space<hbm>> -> memref<128xi32, #tpu.memory_space<hbm>>
        tpu.wait_dma2 semaphore(%run_scoped3A : memref<!tpu.dma_semaphore, #tpu.memory_space<semaphore_mem>>) src(%dma_wait3A_29 : memref<128xi32, #tpu.memory_space<hbm>>) dst(%arg8 : memref<128xi32, #tpu.memory_space<vmem>>)
        tpu.yield
      }) : () -> ()
      %dma_start3A = arith.constant 0 : i32
      %dma_start3A_22 = arith.constant 0 : i32
      %dma_start3A_23 = tpu.memref_slice %arg2[%dma_start3A, %dma_start3A_22] : memref<10000x128xf32, #tpu.memory_space<hbm>> -> memref<10000x128xf32, #tpu.memory_space<hbm>>
      tpu.enqueue_indirect_dma source(%dma_start3A_23 : memref<10000x128xf32, #tpu.memory_space<hbm>>) target(%arg9 : memref<128x128xf32, #tpu.memory_space<vmem>>) offsets(%arg7 : memref<128xi32, #tpu.memory_space<vmem>>) semaphore(%arg11 : memref<!tpu.dma_semaphore, #tpu.memory_space<semaphore_mem>>)
      %dma_wait3A = arith.constant 0 : i32
      %dma_wait3A_24 = arith.constant 0 : i32
      %dma_wait3A_25 = tpu.memref_slice %arg2[%dma_wait3A, %dma_wait3A_24] : memref<10000x128xf32, #tpu.memory_space<hbm>> -> memref<10000x128xf32, #tpu.memory_space<hbm>>
      tpu.wait_indirect_dma semaphore(%arg11 : memref<!tpu.dma_semaphore, #tpu.memory_space<semaphore_mem>>) src(%dma_wait3A_25 : memref<10000x128xf32, #tpu.memory_space<hbm>>) dst(%arg9 : memref<128x128xf32, #tpu.memory_space<vmem>>)
      "tpu.region"() ({
        %run_scoped3A = tpu.sem_alloc : memref<!tpu.dma_semaphore, #tpu.memory_space<semaphore_mem>>
        %dma_start3A_26 = arith.constant 0 : i32
        %dma_start3A_27 = arith.constant 0 : i32
        %dma_start3A_28 = tpu.memref_slice %arg10[%dma_start3A_26, %dma_start3A_27] : memref<10112x128xf32, #tpu.memory_space<vmem_shared>> -> memref<10112x128xf32, #tpu.memory_space<vmem_shared>>
        tpu.enqueue_indirect_dma source(%arg9 : memref<128x128xf32, #tpu.memory_space<vmem>>) target(%dma_start3A_28 : memref<10112x128xf32, #tpu.memory_space<vmem_shared>>) offsets(%arg8 : memref<128xi32, #tpu.memory_space<vmem>>) semaphore(%run_scoped3A : memref<!tpu.dma_semaphore, #tpu.memory_space<semaphore_mem>>) {add = true}
        %dma_wait3A_29 = arith.constant 0 : i32
        %dma_wait3A_30 = arith.constant 0 : i32
        %dma_wait3A_31 = tpu.memref_slice %arg10[%dma_wait3A_29, %dma_wait3A_30] : memref<10112x128xf32, #tpu.memory_space<vmem_shared>> -> memref<10112x128xf32, #tpu.memory_space<vmem_shared>>
        tpu.wait_indirect_dma semaphore(%run_scoped3A : memref<!tpu.dma_semaphore, #tpu.memory_space<semaphore_mem>>) src(%arg9 : memref<128x128xf32, #tpu.memory_space<vmem>>) dst(%dma_wait3A_31 : memref<10112x128xf32, #tpu.memory_space<vmem_shared>>)
        tpu.yield
      }) : () -> ()
    }
    %scan3A_14 = arith.constant 79 : i32
    %barrier3A_15 = arith.constant 0 : index
    tpu.barrier barrier_id(%barrier3A_15)
    %mul3A_16 = arith.constant 632 : i32
    %mul3A_17 = arith.muli %arg1, %mul3A_16 : i32
    "tpu.region"() ({
      %run_scoped3A = tpu.sem_alloc : memref<!tpu.dma_semaphore, #tpu.memory_space<semaphore_mem>>
      %dma_start3A = arith.constant 0 : i32
      %dma_start3A_18 = tpu.memref_slice %arg6[%add3A, %dma_start3A] : memref<20224x128xf32, #tpu.memory_space<hbm>> -> memref<632x128xf32, #tpu.memory_space<hbm>>
      %dma_start3A_19 = arith.constant 0 : i32
      %dma_start3A_20 = tpu.memref_slice %arg10[%mul3A_17, %dma_start3A_19] : memref<10112x128xf32, #tpu.memory_space<vmem_shared>> -> memref<632x128xf32, #tpu.memory_space<vmem_shared>>
      tpu.enqueue_dma source(%dma_start3A_20 : memref<632x128xf32, #tpu.memory_space<vmem_shared>>) target(%dma_start3A_18 : memref<632x128xf32, #tpu.memory_space<hbm>>) target_semaphore(%run_scoped3A : memref<!tpu.dma_semaphore, #tpu.memory_space<semaphore_mem>>)
      %dma_wait3A = arith.constant 0 : i32
      %dma_wait3A_21 = tpu.memref_slice %arg6[%add3A, %dma_wait3A] : memref<20224x128xf32, #tpu.memory_space<hbm>> -> memref<632x128xf32, #tpu.memory_space<hbm>>
      %dma_wait3A_22 = arith.constant 0 : i32
      %dma_wait3A_23 = tpu.memref_slice %arg10[%mul3A_17, %dma_wait3A_22] : memref<10112x128xf32, #tpu.memory_space<vmem_shared>> -> memref<632x128xf32, #tpu.memory_space<vmem_shared>>
      tpu.wait_dma2 semaphore(%run_scoped3A : memref<!tpu.dma_semaphore, #tpu.memory_space<semaphore_mem>>) src(%dma_wait3A_23 : memref<632x128xf32, #tpu.memory_space<vmem_shared>>) dst(%dma_wait3A_21 : memref<632x128xf32, #tpu.memory_space<hbm>>)
      tpu.yield
    }) : () -> ()
    return
  }
}

#map = affine_map<(d0, d1) -> (0, 0)>
#map1 = affine_map<(d0, d1) -> (0)>
module attributes {stable_mosaic.version = 14 : i64} {
  func.func @scatter_kernel(%arg0: i32, %arg1: i32, %arg2: memref<20224x128xf32, #tpu.memory_space<hbm>>, %arg3: memref<643072xi32, #tpu.memory_space<hbm>>, %arg4: memref<643072xi32, #tpu.memory_space<hbm>>, %arg5: memref<20224x128xf32, #tpu.memory_space<hbm>>, %arg6: memref<20224x128xf32, #tpu.memory_space<hbm>>, %arg7: memref<128xi32, #tpu.memory_space<vmem>>, %arg8: memref<128xi32, #tpu.memory_space<vmem>>, %arg9: memref<128x128xf32, #tpu.memory_space<vmem>>, %arg10: memref<10112x128xf32, #tpu.memory_space<vmem_shared>>, %arg11: memref<!tpu.dma_semaphore, #tpu.memory_space<semaphore_mem>>) attributes {dimension_semantics = [#tpu.dimension_semantics<core_parallel>, #tpu.dimension_semantics<subcore_parallel>], iteration_bounds = array<i64: 2, 16>, scalar_prefetch = 0 : i64, scratch_operands = 5 : i64, tpu.core_type = #tpu.core_type<sc_vector_subcore>, window_params = [{transform_indices = #map}, {transform_indices = #map1}, {transform_indices = #map1}, {transform_indices = #map}, {transform_indices = #map}]} {
    %mul3A = arith.constant 10112 : i32
    %mul3A_0 = arith.muli %arg0, %mul3A : i32
    %mul3A_1 = arith.constant 632 : i32
    %mul3A_2 = arith.muli %arg1, %mul3A_1 : i32
    %add3A = arith.addi %mul3A_0, %mul3A_2 : i32
    %mul3A_3 = arith.constant 632 : i32
    %mul3A_4 = arith.muli %arg1, %mul3A_3 : i32
    "tpu.region"() ({
      %run_scoped3A = tpu.sem_alloc : memref<!tpu.dma_semaphore, #tpu.memory_space<semaphore_mem>>
      %dma_start3A = arith.constant 0 : i32
      %dma_start3A_18 = tpu.memref_slice %arg10[%mul3A_4, %dma_start3A] : memref<10112x128xf32, #tpu.memory_space<vmem_shared>> -> memref<632x128xf32, #tpu.memory_space<vmem_shared>>
      %dma_start3A_19 = arith.constant 0 : i32
      %dma_start3A_20 = tpu.memref_slice %arg5[%add3A, %dma_start3A_19] : memref<20224x128xf32, #tpu.memory_space<hbm>> -> memref<632x128xf32, #tpu.memory_space<hbm>>
      tpu.enqueue_dma source(%dma_start3A_20 : memref<632x128xf32, #tpu.memory_space<hbm>>) target(%dma_start3A_18 : memref<632x128xf32, #tpu.memory_space<vmem_shared>>) target_semaphore(%run_scoped3A : memref<!tpu.dma_semaphore, #tpu.memory_space<semaphore_mem>>)
      %dma_wait3A = arith.constant 0 : i32
      %dma_wait3A_21 = tpu.memref_slice %arg10[%mul3A_4, %dma_wait3A] : memref<10112x128xf32, #tpu.memory_space<vmem_shared>> -> memref<632x128xf32, #tpu.memory_space<vmem_shared>>
      %dma_wait3A_22 = arith.constant 0 : i32
      %dma_wait3A_23 = tpu.memref_slice %arg5[%add3A, %dma_wait3A_22] : memref<20224x128xf32, #tpu.memory_space<hbm>> -> memref<632x128xf32, #tpu.memory_space<hbm>>
      tpu.wait_dma2 semaphore(%run_scoped3A : memref<!tpu.dma_semaphore, #tpu.memory_space<semaphore_mem>>) src(%dma_wait3A_23 : memref<632x128xf32, #tpu.memory_space<hbm>>) dst(%dma_wait3A_21 : memref<632x128xf32, #tpu.memory_space<vmem_shared>>)
      tpu.yield
    }) : () -> ()
    %barrier3A = arith.constant 0 : index
    tpu.barrier barrier_id(%barrier3A)
    %mul3A_5 = arith.constant 321536 : i32
    %mul3A_6 = arith.muli %arg0, %mul3A_5 : i32
    %mul3A_7 = arith.constant 20096 : i32
    %mul3A_8 = arith.muli %arg1, %mul3A_7 : i32
    %add3A_9 = arith.addi %mul3A_6, %mul3A_8 : i32
    %scan3A = arith.constant 0 : i32
    %scan3A_10 = arith.constant 0 : i32
    %scan3A_11 = arith.constant 157 : i32
    %scan3A_12 = arith.addi %scan3A_10, %scan3A_11 : i32
    %scan3A_13 = arith.constant 1 : i32
    scf.for %scan3A_18 = %scan3A_10 to %scan3A_12 step %scan3A_13  : i32 {
      %mul3A_19 = arith.constant 128 : i32
      %mul3A_20 = arith.muli %scan3A_18, %mul3A_19 : i32
      %add3A_21 = arith.addi %add3A_9, %mul3A_20 : i32
      "tpu.region"() ({
        %run_scoped3A = tpu.sem_alloc : memref<!tpu.dma_semaphore, #tpu.memory_space<semaphore_mem>>
        %dma_start3A_26 = tpu.memref_slice %arg3[%add3A_21] : memref<643072xi32, #tpu.memory_space<hbm>> -> memref<128xi32, #tpu.memory_space<hbm>>
        %dma_start3A_27 = tpu.memref_slice %arg3[%add3A_21] : memref<643072xi32, #tpu.memory_space<hbm>> -> memref<128xi32, #tpu.memory_space<hbm>>
        tpu.enqueue_dma source(%dma_start3A_27 : memref<128xi32, #tpu.memory_space<hbm>>) target(%arg7 : memref<128xi32, #tpu.memory_space<vmem>>) target_semaphore(%run_scoped3A : memref<!tpu.dma_semaphore, #tpu.memory_space<semaphore_mem>>)
        %dma_wait3A_28 = tpu.memref_slice %arg3[%add3A_21] : memref<643072xi32, #tpu.memory_space<hbm>> -> memref<128xi32, #tpu.memory_space<hbm>>
        %dma_wait3A_29 = tpu.memref_slice %arg3[%add3A_21] : memref<643072xi32, #tpu.memory_space<hbm>> -> memref<128xi32, #tpu.memory_space<hbm>>
        tpu.wait_dma2 semaphore(%run_scoped3A : memref<!tpu.dma_semaphore, #tpu.memory_space<semaphore_mem>>) src(%dma_wait3A_29 : memref<128xi32, #tpu.memory_space<hbm>>) dst(%arg7 : memref<128xi32, #tpu.memory_space<vmem>>)
        tpu.yield
      }) : () -> ()
      "tpu.region"() ({
        %run_scoped3A = tpu.sem_alloc : memref<!tpu.dma_semaphore, #tpu.memory_space<semaphore_mem>>
        %dma_start3A_26 = tpu.memref_slice %arg4[%add3A_21] : memref<643072xi32, #tpu.memory_space<hbm>> -> memref<128xi32, #tpu.memory_space<hbm>>
        %dma_start3A_27 = tpu.memref_slice %arg4[%add3A_21] : memref<643072xi32, #tpu.memory_space<hbm>> -> memref<128xi32, #tpu.memory_space<hbm>>
        tpu.enqueue_dma source(%dma_start3A_27 : memref<128xi32, #tpu.memory_space<hbm>>) target(%arg8 : memref<128xi32, #tpu.memory_space<vmem>>) target_semaphore(%run_scoped3A : memref<!tpu.dma_semaphore, #tpu.memory_space<semaphore_mem>>)
        %dma_wait3A_28 = tpu.memref_slice %arg4[%add3A_21] : memref<643072xi32, #tpu.memory_space<hbm>> -> memref<128xi32, #tpu.memory_space<hbm>>
        %dma_wait3A_29 = tpu.memref_slice %arg4[%add3A_21] : memref<643072xi32, #tpu.memory_space<hbm>> -> memref<128xi32, #tpu.memory_space<hbm>>
        tpu.wait_dma2 semaphore(%run_scoped3A : memref<!tpu.dma_semaphore, #tpu.memory_space<semaphore_mem>>) src(%dma_wait3A_29 : memref<128xi32, #tpu.memory_space<hbm>>) dst(%arg8 : memref<128xi32, #tpu.memory_space<vmem>>)
        tpu.yield
      }) : () -> ()
      %dma_start3A = arith.constant 0 : i32
      %dma_start3A_22 = arith.constant 0 : i32
      %dma_start3A_23 = tpu.memref_slice %arg2[%dma_start3A, %dma_start3A_22] : memref<20224x128xf32, #tpu.memory_space<hbm>> -> memref<20224x128xf32, #tpu.memory_space<hbm>>
      tpu.enqueue_indirect_dma source(%dma_start3A_23 : memref<20224x128xf32, #tpu.memory_space<hbm>>) target(%arg9 : memref<128x128xf32, #tpu.memory_space<vmem>>) offsets(%arg7 : memref<128xi32, #tpu.memory_space<vmem>>) semaphore(%arg11 : memref<!tpu.dma_semaphore, #tpu.memory_space<semaphore_mem>>)
      %dma_wait3A = arith.constant 0 : i32
      %dma_wait3A_24 = arith.constant 0 : i32
      %dma_wait3A_25 = tpu.memref_slice %arg2[%dma_wait3A, %dma_wait3A_24] : memref<20224x128xf32, #tpu.memory_space<hbm>> -> memref<20224x128xf32, #tpu.memory_space<hbm>>
      tpu.wait_indirect_dma semaphore(%arg11 : memref<!tpu.dma_semaphore, #tpu.memory_space<semaphore_mem>>) src(%dma_wait3A_25 : memref<20224x128xf32, #tpu.memory_space<hbm>>) dst(%arg9 : memref<128x128xf32, #tpu.memory_space<vmem>>)
      "tpu.region"() ({
        %run_scoped3A = tpu.sem_alloc : memref<!tpu.dma_semaphore, #tpu.memory_space<semaphore_mem>>
        %dma_start3A_26 = arith.constant 0 : i32
        %dma_start3A_27 = arith.constant 0 : i32
        %dma_start3A_28 = tpu.memref_slice %arg10[%dma_start3A_26, %dma_start3A_27] : memref<10112x128xf32, #tpu.memory_space<vmem_shared>> -> memref<10112x128xf32, #tpu.memory_space<vmem_shared>>
        tpu.enqueue_indirect_dma source(%arg9 : memref<128x128xf32, #tpu.memory_space<vmem>>) target(%dma_start3A_28 : memref<10112x128xf32, #tpu.memory_space<vmem_shared>>) offsets(%arg8 : memref<128xi32, #tpu.memory_space<vmem>>) semaphore(%run_scoped3A : memref<!tpu.dma_semaphore, #tpu.memory_space<semaphore_mem>>) {add = true}
        %dma_wait3A_29 = arith.constant 0 : i32
        %dma_wait3A_30 = arith.constant 0 : i32
        %dma_wait3A_31 = tpu.memref_slice %arg10[%dma_wait3A_29, %dma_wait3A_30] : memref<10112x128xf32, #tpu.memory_space<vmem_shared>> -> memref<10112x128xf32, #tpu.memory_space<vmem_shared>>
        tpu.wait_indirect_dma semaphore(%run_scoped3A : memref<!tpu.dma_semaphore, #tpu.memory_space<semaphore_mem>>) src(%arg9 : memref<128x128xf32, #tpu.memory_space<vmem>>) dst(%dma_wait3A_31 : memref<10112x128xf32, #tpu.memory_space<vmem_shared>>)
        tpu.yield
      }) : () -> ()
    }
    %scan3A_14 = arith.constant 157 : i32
    %barrier3A_15 = arith.constant 0 : index
    tpu.barrier barrier_id(%barrier3A_15)
    %mul3A_16 = arith.constant 632 : i32
    %mul3A_17 = arith.muli %arg1, %mul3A_16 : i32
    "tpu.region"() ({
      %run_scoped3A = tpu.sem_alloc : memref<!tpu.dma_semaphore, #tpu.memory_space<semaphore_mem>>
      %dma_start3A = arith.constant 0 : i32
      %dma_start3A_18 = tpu.memref_slice %arg6[%add3A, %dma_start3A] : memref<20224x128xf32, #tpu.memory_space<hbm>> -> memref<632x128xf32, #tpu.memory_space<hbm>>
      %dma_start3A_19 = arith.constant 0 : i32
      %dma_start3A_20 = tpu.memref_slice %arg10[%mul3A_17, %dma_start3A_19] : memref<10112x128xf32, #tpu.memory_space<vmem_shared>> -> memref<632x128xf32, #tpu.memory_space<vmem_shared>>
      tpu.enqueue_dma source(%dma_start3A_20 : memref<632x128xf32, #tpu.memory_space<vmem_shared>>) target(%dma_start3A_18 : memref<632x128xf32, #tpu.memory_space<hbm>>) target_semaphore(%run_scoped3A : memref<!tpu.dma_semaphore, #tpu.memory_space<semaphore_mem>>)
      %dma_wait3A = arith.constant 0 : i32
      %dma_wait3A_21 = tpu.memref_slice %arg6[%add3A, %dma_wait3A] : memref<20224x128xf32, #tpu.memory_space<hbm>> -> memref<632x128xf32, #tpu.memory_space<hbm>>
      %dma_wait3A_22 = arith.constant 0 : i32
      %dma_wait3A_23 = tpu.memref_slice %arg10[%mul3A_17, %dma_wait3A_22] : memref<10112x128xf32, #tpu.memory_space<vmem_shared>> -> memref<632x128xf32, #tpu.memory_space<vmem_shared>>
      tpu.wait_dma2 semaphore(%run_scoped3A : memref<!tpu.dma_semaphore, #tpu.memory_space<semaphore_mem>>) src(%dma_wait3A_23 : memref<632x128xf32, #tpu.memory_space<vmem_shared>>) dst(%dma_wait3A_21 : memref<632x128xf32, #tpu.memory_space<hbm>>)
      tpu.yield
    }) : () -> ()
    return
  }
}

#map = affine_map<(d0, d1) -> (0, 0)>
#map1 = affine_map<(d0, d1) -> (0)>
module attributes {stable_mosaic.version = 14 : i64} {
  func.func @gather_kernel(%arg0: i32, %arg1: i32, %arg2: memref<10112x128xf32, #tpu.memory_space<hbm>>, %arg3: memref<204800xi32, #tpu.memory_space<hbm>>, %arg4: memref<204800x128xf32, #tpu.memory_space<hbm>>, %arg5: memref<128xi32, #tpu.memory_space<vmem>>, %arg6: memref<128x128xf32, #tpu.memory_space<vmem>>, %arg7: memref<!tpu.dma_semaphore, #tpu.memory_space<semaphore_mem>>) attributes {dimension_semantics = [#tpu.dimension_semantics<core_parallel>, #tpu.dimension_semantics<subcore_parallel>], iteration_bounds = array<i64: 2, 16>, scalar_prefetch = 0 : i64, scratch_operands = 3 : i64, tpu.core_type = #tpu.core_type<sc_vector_subcore>, window_params = [{transform_indices = #map}, {transform_indices = #map1}, {transform_indices = #map}]} {
    %mul3A = arith.constant 2 : i32
    %mul3A_0 = arith.muli %arg1, %mul3A : i32
    %add3A = arith.addi %mul3A_0, %arg0 : i32
    %mul3A_1 = arith.constant 6400 : i32
    %mul3A_2 = arith.muli %add3A, %mul3A_1 : i32
    %scan3A = arith.constant 0 : i32
    %scan3A_3 = arith.constant 0 : i32
    %scan3A_4 = arith.constant 50 : i32
    %scan3A_5 = arith.addi %scan3A_3, %scan3A_4 : i32
    %scan3A_6 = arith.constant 1 : i32
    scf.for %scan3A_8 = %scan3A_3 to %scan3A_5 step %scan3A_6  : i32 {
      %mul3A_9 = arith.constant 128 : i32
      %mul3A_10 = arith.muli %scan3A_8, %mul3A_9 : i32
      %add3A_11 = arith.addi %mul3A_2, %mul3A_10 : i32
      "tpu.region"() ({
        %run_scoped3A = tpu.sem_alloc : memref<!tpu.dma_semaphore, #tpu.memory_space<semaphore_mem>>
        %dma_start3A_16 = tpu.memref_slice %arg3[%add3A_11] : memref<204800xi32, #tpu.memory_space<hbm>> -> memref<128xi32, #tpu.memory_space<hbm>>
        %dma_start3A_17 = tpu.memref_slice %arg3[%add3A_11] : memref<204800xi32, #tpu.memory_space<hbm>> -> memref<128xi32, #tpu.memory_space<hbm>>
        tpu.enqueue_dma source(%dma_start3A_17 : memref<128xi32, #tpu.memory_space<hbm>>) target(%arg5 : memref<128xi32, #tpu.memory_space<vmem>>) target_semaphore(%run_scoped3A : memref<!tpu.dma_semaphore, #tpu.memory_space<semaphore_mem>>)
        %dma_wait3A_18 = tpu.memref_slice %arg3[%add3A_11] : memref<204800xi32, #tpu.memory_space<hbm>> -> memref<128xi32, #tpu.memory_space<hbm>>
        %dma_wait3A_19 = tpu.memref_slice %arg3[%add3A_11] : memref<204800xi32, #tpu.memory_space<hbm>> -> memref<128xi32, #tpu.memory_space<hbm>>
        tpu.wait_dma2 semaphore(%run_scoped3A : memref<!tpu.dma_semaphore, #tpu.memory_space<semaphore_mem>>) src(%dma_wait3A_19 : memref<128xi32, #tpu.memory_space<hbm>>) dst(%arg5 : memref<128xi32, #tpu.memory_space<vmem>>)
        tpu.yield
      }) : () -> ()
      %dma_start3A = arith.constant 0 : i32
      %dma_start3A_12 = arith.constant 0 : i32
      %dma_start3A_13 = tpu.memref_slice %arg2[%dma_start3A, %dma_start3A_12] : memref<10112x128xf32, #tpu.memory_space<hbm>> -> memref<10112x128xf32, #tpu.memory_space<hbm>>
      tpu.enqueue_indirect_dma source(%dma_start3A_13 : memref<10112x128xf32, #tpu.memory_space<hbm>>) target(%arg6 : memref<128x128xf32, #tpu.memory_space<vmem>>) offsets(%arg5 : memref<128xi32, #tpu.memory_space<vmem>>) semaphore(%arg7 : memref<!tpu.dma_semaphore, #tpu.memory_space<semaphore_mem>>)
      %dma_wait3A = arith.constant 0 : i32
      %dma_wait3A_14 = arith.constant 0 : i32
      %dma_wait3A_15 = tpu.memref_slice %arg2[%dma_wait3A, %dma_wait3A_14] : memref<10112x128xf32, #tpu.memory_space<hbm>> -> memref<10112x128xf32, #tpu.memory_space<hbm>>
      tpu.wait_indirect_dma semaphore(%arg7 : memref<!tpu.dma_semaphore, #tpu.memory_space<semaphore_mem>>) src(%dma_wait3A_15 : memref<10112x128xf32, #tpu.memory_space<hbm>>) dst(%arg6 : memref<128x128xf32, #tpu.memory_space<vmem>>)
      "tpu.region"() ({
        %run_scoped3A = tpu.sem_alloc : memref<!tpu.dma_semaphore, #tpu.memory_space<semaphore_mem>>
        %dma_start3A_16 = arith.constant 0 : i32
        %dma_start3A_17 = tpu.memref_slice %arg4[%add3A_11, %dma_start3A_16] : memref<204800x128xf32, #tpu.memory_space<hbm>> -> memref<128x128xf32, #tpu.memory_space<hbm>>
        %dma_start3A_18 = arith.constant 0 : i32
        %dma_start3A_19 = tpu.memref_slice %arg4[%add3A_11, %dma_start3A_18] : memref<204800x128xf32, #tpu.memory_space<hbm>> -> memref<128x128xf32, #tpu.memory_space<hbm>>
        tpu.enqueue_dma source(%arg6 : memref<128x128xf32, #tpu.memory_space<vmem>>) target(%dma_start3A_19 : memref<128x128xf32, #tpu.memory_space<hbm>>) target_semaphore(%run_scoped3A : memref<!tpu.dma_semaphore, #tpu.memory_space<semaphore_mem>>)
        %dma_wait3A_20 = arith.constant 0 : i32
        %dma_wait3A_21 = tpu.memref_slice %arg4[%add3A_11, %dma_wait3A_20] : memref<204800x128xf32, #tpu.memory_space<hbm>> -> memref<128x128xf32, #tpu.memory_space<hbm>>
        %dma_wait3A_22 = arith.constant 0 : i32
        %dma_wait3A_23 = tpu.memref_slice %arg4[%add3A_11, %dma_wait3A_22] : memref<204800x128xf32, #tpu.memory_space<hbm>> -> memref<128x128xf32, #tpu.memory_space<hbm>>
        tpu.wait_dma2 semaphore(%run_scoped3A : memref<!tpu.dma_semaphore, #tpu.memory_space<semaphore_mem>>) src(%arg6 : memref<128x128xf32, #tpu.memory_space<vmem>>) dst(%dma_wait3A_23 : memref<128x128xf32, #tpu.memory_space<hbm>>)
        tpu.yield
      }) : () -> ()
    }
    %scan3A_7 = arith.constant 50 : i32
    return
  }
}

#map = affine_map<(d0, d1) -> (0, 0)>
#map1 = affine_map<(d0, d1) -> (0)>
module attributes {stable_mosaic.version = 14 : i64} {
  func.func @scatter_kernel(%arg0: i32, %arg1: i32, %arg2: memref<10112x128xf32, #tpu.memory_space<hbm>>, %arg3: memref<323584xi32, #tpu.memory_space<hbm>>, %arg4: memref<323584xi32, #tpu.memory_space<hbm>>, %arg5: memref<20224x128xf32, #tpu.memory_space<hbm>>, %arg6: memref<20224x128xf32, #tpu.memory_space<hbm>>, %arg7: memref<128xi32, #tpu.memory_space<vmem>>, %arg8: memref<128xi32, #tpu.memory_space<vmem>>, %arg9: memref<128x128xf32, #tpu.memory_space<vmem>>, %arg10: memref<10112x128xf32, #tpu.memory_space<vmem_shared>>, %arg11: memref<!tpu.dma_semaphore, #tpu.memory_space<semaphore_mem>>) attributes {dimension_semantics = [#tpu.dimension_semantics<core_parallel>, #tpu.dimension_semantics<subcore_parallel>], iteration_bounds = array<i64: 2, 16>, scalar_prefetch = 0 : i64, scratch_operands = 5 : i64, tpu.core_type = #tpu.core_type<sc_vector_subcore>, window_params = [{transform_indices = #map}, {transform_indices = #map1}, {transform_indices = #map1}, {transform_indices = #map}, {transform_indices = #map}]} {
    %mul3A = arith.constant 10112 : i32
    %mul3A_0 = arith.muli %arg0, %mul3A : i32
    %mul3A_1 = arith.constant 632 : i32
    %mul3A_2 = arith.muli %arg1, %mul3A_1 : i32
    %add3A = arith.addi %mul3A_0, %mul3A_2 : i32
    %mul3A_3 = arith.constant 632 : i32
    %mul3A_4 = arith.muli %arg1, %mul3A_3 : i32
    "tpu.region"() ({
      %run_scoped3A = tpu.sem_alloc : memref<!tpu.dma_semaphore, #tpu.memory_space<semaphore_mem>>
      %dma_start3A = arith.constant 0 : i32
      %dma_start3A_18 = tpu.memref_slice %arg10[%mul3A_4, %dma_start3A] : memref<10112x128xf32, #tpu.memory_space<vmem_shared>> -> memref<632x128xf32, #tpu.memory_space<vmem_shared>>
      %dma_start3A_19 = arith.constant 0 : i32
      %dma_start3A_20 = tpu.memref_slice %arg5[%add3A, %dma_start3A_19] : memref<20224x128xf32, #tpu.memory_space<hbm>> -> memref<632x128xf32, #tpu.memory_space<hbm>>
      tpu.enqueue_dma source(%dma_start3A_20 : memref<632x128xf32, #tpu.memory_space<hbm>>) target(%dma_start3A_18 : memref<632x128xf32, #tpu.memory_space<vmem_shared>>) target_semaphore(%run_scoped3A : memref<!tpu.dma_semaphore, #tpu.memory_space<semaphore_mem>>)
      %dma_wait3A = arith.constant 0 : i32
      %dma_wait3A_21 = tpu.memref_slice %arg10[%mul3A_4, %dma_wait3A] : memref<10112x128xf32, #tpu.memory_space<vmem_shared>> -> memref<632x128xf32, #tpu.memory_space<vmem_shared>>
      %dma_wait3A_22 = arith.constant 0 : i32
      %dma_wait3A_23 = tpu.memref_slice %arg5[%add3A, %dma_wait3A_22] : memref<20224x128xf32, #tpu.memory_space<hbm>> -> memref<632x128xf32, #tpu.memory_space<hbm>>
      tpu.wait_dma2 semaphore(%run_scoped3A : memref<!tpu.dma_semaphore, #tpu.memory_space<semaphore_mem>>) src(%dma_wait3A_23 : memref<632x128xf32, #tpu.memory_space<hbm>>) dst(%dma_wait3A_21 : memref<632x128xf32, #tpu.memory_space<vmem_shared>>)
      tpu.yield
    }) : () -> ()
    %barrier3A = arith.constant 0 : index
    tpu.barrier barrier_id(%barrier3A)
    %mul3A_5 = arith.constant 161792 : i32
    %mul3A_6 = arith.muli %arg0, %mul3A_5 : i32
    %mul3A_7 = arith.constant 10112 : i32
    %mul3A_8 = arith.muli %arg1, %mul3A_7 : i32
    %add3A_9 = arith.addi %mul3A_6, %mul3A_8 : i32
    %scan3A = arith.constant 0 : i32
    %scan3A_10 = arith.constant 0 : i32
    %scan3A_11 = arith.constant 79 : i32
    %scan3A_12 = arith.addi %scan3A_10, %scan3A_11 : i32
    %scan3A_13 = arith.constant 1 : i32
    scf.for %scan3A_18 = %scan3A_10 to %scan3A_12 step %scan3A_13  : i32 {
      %mul3A_19 = arith.constant 128 : i32
      %mul3A_20 = arith.muli %scan3A_18, %mul3A_19 : i32
      %add3A_21 = arith.addi %add3A_9, %mul3A_20 : i32
      "tpu.region"() ({
        %run_scoped3A = tpu.sem_alloc : memref<!tpu.dma_semaphore, #tpu.memory_space<semaphore_mem>>
        %dma_start3A_26 = tpu.memref_slice %arg3[%add3A_21] : memref<323584xi32, #tpu.memory_space<hbm>> -> memref<128xi32, #tpu.memory_space<hbm>>
        %dma_start3A_27 = tpu.memref_slice %arg3[%add3A_21] : memref<323584xi32, #tpu.memory_space<hbm>> -> memref<128xi32, #tpu.memory_space<hbm>>
        tpu.enqueue_dma source(%dma_start3A_27 : memref<128xi32, #tpu.memory_space<hbm>>) target(%arg7 : memref<128xi32, #tpu.memory_space<vmem>>) target_semaphore(%run_scoped3A : memref<!tpu.dma_semaphore, #tpu.memory_space<semaphore_mem>>)
        %dma_wait3A_28 = tpu.memref_slice %arg3[%add3A_21] : memref<323584xi32, #tpu.memory_space<hbm>> -> memref<128xi32, #tpu.memory_space<hbm>>
        %dma_wait3A_29 = tpu.memref_slice %arg3[%add3A_21] : memref<323584xi32, #tpu.memory_space<hbm>> -> memref<128xi32, #tpu.memory_space<hbm>>
        tpu.wait_dma2 semaphore(%run_scoped3A : memref<!tpu.dma_semaphore, #tpu.memory_space<semaphore_mem>>) src(%dma_wait3A_29 : memref<128xi32, #tpu.memory_space<hbm>>) dst(%arg7 : memref<128xi32, #tpu.memory_space<vmem>>)
        tpu.yield
      }) : () -> ()
      "tpu.region"() ({
        %run_scoped3A = tpu.sem_alloc : memref<!tpu.dma_semaphore, #tpu.memory_space<semaphore_mem>>
        %dma_start3A_26 = tpu.memref_slice %arg4[%add3A_21] : memref<323584xi32, #tpu.memory_space<hbm>> -> memref<128xi32, #tpu.memory_space<hbm>>
        %dma_start3A_27 = tpu.memref_slice %arg4[%add3A_21] : memref<323584xi32, #tpu.memory_space<hbm>> -> memref<128xi32, #tpu.memory_space<hbm>>
        tpu.enqueue_dma source(%dma_start3A_27 : memref<128xi32, #tpu.memory_space<hbm>>) target(%arg8 : memref<128xi32, #tpu.memory_space<vmem>>) target_semaphore(%run_scoped3A : memref<!tpu.dma_semaphore, #tpu.memory_space<semaphore_mem>>)
        %dma_wait3A_28 = tpu.memref_slice %arg4[%add3A_21] : memref<323584xi32, #tpu.memory_space<hbm>> -> memref<128xi32, #tpu.memory_space<hbm>>
        %dma_wait3A_29 = tpu.memref_slice %arg4[%add3A_21] : memref<323584xi32, #tpu.memory_space<hbm>> -> memref<128xi32, #tpu.memory_space<hbm>>
        tpu.wait_dma2 semaphore(%run_scoped3A : memref<!tpu.dma_semaphore, #tpu.memory_space<semaphore_mem>>) src(%dma_wait3A_29 : memref<128xi32, #tpu.memory_space<hbm>>) dst(%arg8 : memref<128xi32, #tpu.memory_space<vmem>>)
        tpu.yield
      }) : () -> ()
      %dma_start3A = arith.constant 0 : i32
      %dma_start3A_22 = arith.constant 0 : i32
      %dma_start3A_23 = tpu.memref_slice %arg2[%dma_start3A, %dma_start3A_22] : memref<10112x128xf32, #tpu.memory_space<hbm>> -> memref<10112x128xf32, #tpu.memory_space<hbm>>
      tpu.enqueue_indirect_dma source(%dma_start3A_23 : memref<10112x128xf32, #tpu.memory_space<hbm>>) target(%arg9 : memref<128x128xf32, #tpu.memory_space<vmem>>) offsets(%arg7 : memref<128xi32, #tpu.memory_space<vmem>>) semaphore(%arg11 : memref<!tpu.dma_semaphore, #tpu.memory_space<semaphore_mem>>)
      %dma_wait3A = arith.constant 0 : i32
      %dma_wait3A_24 = arith.constant 0 : i32
      %dma_wait3A_25 = tpu.memref_slice %arg2[%dma_wait3A, %dma_wait3A_24] : memref<10112x128xf32, #tpu.memory_space<hbm>> -> memref<10112x128xf32, #tpu.memory_space<hbm>>
      tpu.wait_indirect_dma semaphore(%arg11 : memref<!tpu.dma_semaphore, #tpu.memory_space<semaphore_mem>>) src(%dma_wait3A_25 : memref<10112x128xf32, #tpu.memory_space<hbm>>) dst(%arg9 : memref<128x128xf32, #tpu.memory_space<vmem>>)
      "tpu.region"() ({
        %run_scoped3A = tpu.sem_alloc : memref<!tpu.dma_semaphore, #tpu.memory_space<semaphore_mem>>
        %dma_start3A_26 = arith.constant 0 : i32
        %dma_start3A_27 = arith.constant 0 : i32
        %dma_start3A_28 = tpu.memref_slice %arg10[%dma_start3A_26, %dma_start3A_27] : memref<10112x128xf32, #tpu.memory_space<vmem_shared>> -> memref<10112x128xf32, #tpu.memory_space<vmem_shared>>
        tpu.enqueue_indirect_dma source(%arg9 : memref<128x128xf32, #tpu.memory_space<vmem>>) target(%dma_start3A_28 : memref<10112x128xf32, #tpu.memory_space<vmem_shared>>) offsets(%arg8 : memref<128xi32, #tpu.memory_space<vmem>>) semaphore(%run_scoped3A : memref<!tpu.dma_semaphore, #tpu.memory_space<semaphore_mem>>) {add = true}
        %dma_wait3A_29 = arith.constant 0 : i32
        %dma_wait3A_30 = arith.constant 0 : i32
        %dma_wait3A_31 = tpu.memref_slice %arg10[%dma_wait3A_29, %dma_wait3A_30] : memref<10112x128xf32, #tpu.memory_space<vmem_shared>> -> memref<10112x128xf32, #tpu.memory_space<vmem_shared>>
        tpu.wait_indirect_dma semaphore(%run_scoped3A : memref<!tpu.dma_semaphore, #tpu.memory_space<semaphore_mem>>) src(%arg9 : memref<128x128xf32, #tpu.memory_space<vmem>>) dst(%dma_wait3A_31 : memref<10112x128xf32, #tpu.memory_space<vmem_shared>>)
        tpu.yield
      }) : () -> ()
    }
    %scan3A_14 = arith.constant 79 : i32
    %barrier3A_15 = arith.constant 0 : index
    tpu.barrier barrier_id(%barrier3A_15)
    %mul3A_16 = arith.constant 632 : i32
    %mul3A_17 = arith.muli %arg1, %mul3A_16 : i32
    "tpu.region"() ({
      %run_scoped3A = tpu.sem_alloc : memref<!tpu.dma_semaphore, #tpu.memory_space<semaphore_mem>>
      %dma_start3A = arith.constant 0 : i32
      %dma_start3A_18 = tpu.memref_slice %arg6[%add3A, %dma_start3A] : memref<20224x128xf32, #tpu.memory_space<hbm>> -> memref<632x128xf32, #tpu.memory_space<hbm>>
      %dma_start3A_19 = arith.constant 0 : i32
      %dma_start3A_20 = tpu.memref_slice %arg10[%mul3A_17, %dma_start3A_19] : memref<10112x128xf32, #tpu.memory_space<vmem_shared>> -> memref<632x128xf32, #tpu.memory_space<vmem_shared>>
      tpu.enqueue_dma source(%dma_start3A_20 : memref<632x128xf32, #tpu.memory_space<vmem_shared>>) target(%dma_start3A_18 : memref<632x128xf32, #tpu.memory_space<hbm>>) target_semaphore(%run_scoped3A : memref<!tpu.dma_semaphore, #tpu.memory_space<semaphore_mem>>)
      %dma_wait3A = arith.constant 0 : i32
      %dma_wait3A_21 = tpu.memref_slice %arg6[%add3A, %dma_wait3A] : memref<20224x128xf32, #tpu.memory_space<hbm>> -> memref<632x128xf32, #tpu.memory_space<hbm>>
      %dma_wait3A_22 = arith.constant 0 : i32
      %dma_wait3A_23 = tpu.memref_slice %arg10[%mul3A_17, %dma_wait3A_22] : memref<10112x128xf32, #tpu.memory_space<vmem_shared>> -> memref<632x128xf32, #tpu.memory_space<vmem_shared>>
      tpu.wait_dma2 semaphore(%run_scoped3A : memref<!tpu.dma_semaphore, #tpu.memory_space<semaphore_mem>>) src(%dma_wait3A_23 : memref<632x128xf32, #tpu.memory_space<vmem_shared>>) dst(%dma_wait3A_21 : memref<632x128xf32, #tpu.memory_space<hbm>>)
      tpu.yield
    }) : () -> ()
    return
  }
}

module attributes {stable_mosaic.version = 14 : i64} {
  func.func @_tc1_body(%arg0: i32, %arg1: memref<2x2000x128xf32, #tpu.memory_space<vmem>>, %arg2: memref<128x256xf32, #tpu.memory_space<vmem>>, %arg3: memref<1x256xf32, #tpu.memory_space<vmem>>, %arg4: memref<2x2000x128xf32, #tpu.memory_space<vmem>>) attributes {dimension_semantics = [#tpu.dimension_semantics<arbitrary>], iteration_bounds = array<i64: 5>, scalar_prefetch = 0 : i64, scratch_operands = 0 : i64, tpu.core_type = #tpu.core_type<tc>, window_params = [{transform_indices = @transform_0, window_bounds = array<i64: 2, 2000, 128>}, {pipeline_mode = #tpu.pipeline_mode<synchronous>, transform_indices = @transform_1, window_bounds = array<i64: 128, 256>}, {pipeline_mode = #tpu.pipeline_mode<synchronous>, transform_indices = @transform_2, window_bounds = array<i64: 1, 256>}, {transform_indices = @transform_3, window_bounds = array<i64: 2, 2000, 128>}]} {
    %get3A = arith.constant 0 : index
    %get3A_0 = arith.constant 0 : index
    %get3A_1 = arith.constant 0 : index
    %get3A_2 = vector.load %arg1[%get3A, %get3A_0, %get3A_1] : memref<2x2000x128xf32, #tpu.memory_space<vmem>>, vector<1x2000x128xf32>
    %get3A_3 = vector.shape_cast %get3A_2 : vector<1x2000x128xf32> to vector<2000x128xf32>
    %get3A_4 = arith.constant 1 : index
    %get3A_5 = arith.constant 0 : index
    %get3A_6 = arith.constant 0 : index
    %get3A_7 = vector.load %arg1[%get3A_4, %get3A_5, %get3A_6] : memref<2x2000x128xf32, #tpu.memory_space<vmem>>, vector<1x2000x128xf32>
    %get3A_8 = vector.shape_cast %get3A_7 : vector<1x2000x128xf32> to vector<2000x128xf32>
    %add3A = arith.addf %get3A_3, %get3A_8 : vector<2000x128xf32>
    %get3A_9 = arith.constant 0 : index
    %get3A_10 = arith.constant 0 : index
    %get3A_11 = vector.load %arg2[%get3A_9, %get3A_10] : memref<128x256xf32, #tpu.memory_space<vmem>>, vector<128x256xf32>
    %dot_general3A = arith.constant dense<0.000000e+00> : vector<2000x256xf32>
    %dot_general3A_12 = tpu.matmul %add3A, %get3A_11, %dot_general3A {dimension_numbers = #tpu.dot_dimension_numbers<[1], [0], [0], [1], [0, 0, 1, 1], [], []>, transpose_lhs_hint = false} : vector<2000x128xf32>, vector<128x256xf32>, vector<2000x256xf32> -> vector<2000x256xf32>
    %get3A_13 = arith.constant 0 : index
    %get3A_14 = arith.constant 0 : index
    %get3A_15 = vector.load %arg3[%get3A_13, %get3A_14] : memref<1x256xf32, #tpu.memory_space<vmem>>, vector<1x256xf32>
    %add3A_16 = vector.broadcast %get3A_15 : vector<1x256xf32> to vector<2000x256xf32>
    %add3A_17 = arith.addf %dot_general3A_12, %add3A_16 : vector<2000x256xf32>
    %max3A = arith.constant 0.000000e+00 : f32
    %max3A_18 = vector.broadcast %max3A : f32 to vector<2000x256xf32>
    %max3A_19 = arith.maximumf %add3A_17, %max3A_18 : vector<2000x256xf32>
    %slice3A = vector.extract_strided_slice %max3A_19 {offsets = [0, 0], sizes = [2000, 128], strides = [1, 1]} : vector<2000x256xf32> to vector<2000x128xf32>
    %swap3A = arith.constant 0 : index
    %swap3A_20 = arith.constant 0 : index
    %swap3A_21 = arith.constant 0 : index
    %swap3A_22 = vector.load %arg4[%swap3A, %swap3A_20, %swap3A_21] : memref<2x2000x128xf32, #tpu.memory_space<vmem>>, vector<1x2000x128xf32>
    %swap3A_23 = vector.shape_cast %swap3A_22 : vector<1x2000x128xf32> to vector<2000x128xf32>
    %swap3A_24 = vector.shape_cast %slice3A : vector<2000x128xf32> to vector<1x2000x128xf32>
    tpu.vector_store %arg4[%swap3A, %swap3A_20, %swap3A_21], %swap3A_24 {strides = array<i32>} : memref<2x2000x128xf32, #tpu.memory_space<vmem>>, vector<1x2000x128xf32>,
    %slice3A_25 = vector.extract_strided_slice %max3A_19 {offsets = [0, 128], sizes = [2000, 128], strides = [1, 1]} : vector<2000x256xf32> to vector<2000x128xf32>
    %swap3A_26 = arith.constant 1 : index
    %swap3A_27 = arith.constant 0 : index
    %swap3A_28 = arith.constant 0 : index
    %swap3A_29 = vector.load %arg4[%swap3A_26, %swap3A_27, %swap3A_28] : memref<2x2000x128xf32, #tpu.memory_space<vmem>>, vector<1x2000x128xf32>
    %swap3A_30 = vector.shape_cast %swap3A_29 : vector<1x2000x128xf32> to vector<2000x128xf32>
    %swap3A_31 = vector.shape_cast %slice3A_25 : vector<2000x128xf32> to vector<1x2000x128xf32>
    tpu.vector_store %arg4[%swap3A_26, %swap3A_27, %swap3A_28], %swap3A_31 {strides = array<i32>} : memref<2x2000x128xf32, #tpu.memory_space<vmem>>, vector<1x2000x128xf32>,
    return
  }
  func.func @transform_0(%arg0: i32) -> (i32, i32, i32) {
    %c0_i32 = arith.constant 0 : i32
    %c0_i32_0 = arith.constant 0 : i32
    %c0_i32_1 = arith.constant 0 : i32
    return %c0_i32, %arg0, %c0_i32_0 : i32, i32, i32
  }
  func.func @transform_1(%arg0: i32) -> (i32, i32) {
    %c0_i32 = arith.constant 0 : i32
    %c0_i32_0 = arith.constant 0 : i32
    %c0_i32_1 = arith.constant 0 : i32
    return %c0_i32, %c0_i32_0 : i32, i32
  }
  func.func @transform_2(%arg0: i32) -> (i32, i32) {
    %c0_i32 = arith.constant 0 : i32
    %c0_i32_0 = arith.constant 0 : i32
    %c0_i32_1 = arith.constant 0 : i32
    return %c0_i32, %c0_i32_0 : i32, i32
  }
  func.func @transform_3(%arg0: i32) -> (i32, i32, i32) {
    %c0_i32 = arith.constant 0 : i32
    %c0_i32_0 = arith.constant 0 : i32
    %c0_i32_1 = arith.constant 0 : i32
    return %c0_i32, %arg0, %c0_i32_0 : i32, i32, i32
  }
}

module attributes {stable_mosaic.version = 14 : i64} {
  func.func @_tc2_body(%arg0: i32, %arg1: memref<2x2000x128xf32, #tpu.memory_space<vmem>>, %arg2: memref<256x256xf32, #tpu.memory_space<vmem>>, %arg3: memref<1x256xf32, #tpu.memory_space<vmem>>, %arg4: memref<256x128xf32, #tpu.memory_space<vmem>>, %arg5: memref<2000x128xf32, #tpu.memory_space<vmem>>) attributes {dimension_semantics = [#tpu.dimension_semantics<arbitrary>], iteration_bounds = array<i64: 5>, scalar_prefetch = 0 : i64, scratch_operands = 0 : i64, tpu.core_type = #tpu.core_type<tc>, window_params = [{transform_indices = @transform_0, window_bounds = array<i64: 2, 2000, 128>}, {pipeline_mode = #tpu.pipeline_mode<synchronous>, transform_indices = @transform_1, window_bounds = array<i64: 256, 256>}, {pipeline_mode = #tpu.pipeline_mode<synchronous>, transform_indices = @transform_2, window_bounds = array<i64: 1, 256>}, {pipeline_mode = #tpu.pipeline_mode<synchronous>, transform_indices = @transform_3, window_bounds = array<i64: 256, 128>}, {transform_indices = @transform_4, window_bounds = array<i64: 2000, 128>}]} {
    %get3A = arith.constant 0 : index
    %get3A_0 = arith.constant 0 : index
    %get3A_1 = vector.load %arg2[%get3A, %get3A_0] : memref<256x256xf32, #tpu.memory_space<vmem>>, vector<256x256xf32>
    %get3A_2 = arith.constant 0 : index
    %get3A_3 = arith.constant 0 : index
    %get3A_4 = arith.constant 0 : index
    %get3A_5 = vector.load %arg1[%get3A_2, %get3A_3, %get3A_4] : memref<2x2000x128xf32, #tpu.memory_space<vmem>>, vector<1x2000x128xf32>
    %get3A_6 = vector.shape_cast %get3A_5 : vector<1x2000x128xf32> to vector<2000x128xf32>
    %slice3A = vector.extract_strided_slice %get3A_1 {offsets = [0, 0], sizes = [128, 256], strides = [1, 1]} : vector<256x256xf32> to vector<128x256xf32>
    %dot_general3A = arith.constant dense<0.000000e+00> : vector<2000x256xf32>
    %dot_general3A_7 = tpu.matmul %get3A_6, %slice3A, %dot_general3A {dimension_numbers = #tpu.dot_dimension_numbers<[1], [0], [0], [1], [0, 0, 1, 1], [], []>, transpose_lhs_hint = false} : vector<2000x128xf32>, vector<128x256xf32>, vector<2000x256xf32> -> vector<2000x256xf32>
    %get3A_8 = arith.constant 1 : index
    %get3A_9 = arith.constant 0 : index
    %get3A_10 = arith.constant 0 : index
    %get3A_11 = vector.load %arg1[%get3A_8, %get3A_9, %get3A_10] : memref<2x2000x128xf32, #tpu.memory_space<vmem>>, vector<1x2000x128xf32>
    %get3A_12 = vector.shape_cast %get3A_11 : vector<1x2000x128xf32> to vector<2000x128xf32>
    %slice3A_13 = vector.extract_strided_slice %get3A_1 {offsets = [128, 0], sizes = [128, 256], strides = [1, 1]} : vector<256x256xf32> to vector<128x256xf32>
    %dot_general3A_14 = arith.constant dense<0.000000e+00> : vector<2000x256xf32>
    %dot_general3A_15 = tpu.matmul %get3A_12, %slice3A_13, %dot_general3A_14 {dimension_numbers = #tpu.dot_dimension_numbers<[1], [0], [0], [1], [0, 0, 1, 1], [], []>, transpose_lhs_hint = false} : vector<2000x128xf32>, vector<128x256xf32>, vector<2000x256xf32> -> vector<2000x256xf32>
    %add3A = arith.addf %dot_general3A_7, %dot_general3A_15 : vector<2000x256xf32>
    %get3A_16 = arith.constant 0 : index
    %get3A_17 = arith.constant 0 : index
    %get3A_18 = vector.load %arg3[%get3A_16, %get3A_17] : memref<1x256xf32, #tpu.memory_space<vmem>>, vector<1x256xf32>
    %add3A_19 = vector.broadcast %get3A_18 : vector<1x256xf32> to vector<2000x256xf32>
    %add3A_20 = arith.addf %add3A, %add3A_19 : vector<2000x256xf32>
    %max3A = arith.constant 0.000000e+00 : f32
    %max3A_21 = vector.broadcast %max3A : f32 to vector<2000x256xf32>
    %max3A_22 = arith.maximumf %add3A_20, %max3A_21 : vector<2000x256xf32>
    %get3A_23 = arith.constant 0 : index
    %get3A_24 = arith.constant 0 : index
    %get3A_25 = vector.load %arg4[%get3A_23, %get3A_24] : memref<256x128xf32, #tpu.memory_space<vmem>>, vector<256x128xf32>
    %dot_general3A_26 = arith.constant dense<0.000000e+00> : vector<2000x128xf32>
    %dot_general3A_27 = tpu.matmul %max3A_22, %get3A_25, %dot_general3A_26 {dimension_numbers = #tpu.dot_dimension_numbers<[1], [0], [0], [1], [0, 0, 1, 1], [], []>, transpose_lhs_hint = false} : vector<2000x256xf32>, vector<256x128xf32>, vector<2000x128xf32> -> vector<2000x128xf32>
    %swap3A = arith.constant 0 : index
    %swap3A_28 = arith.constant 0 : index
    %swap3A_29 = vector.load %arg5[%swap3A, %swap3A_28] : memref<2000x128xf32, #tpu.memory_space<vmem>>, vector<2000x128xf32>
    tpu.vector_store %arg5[%swap3A, %swap3A_28], %dot_general3A_27 {strides = array<i32>} : memref<2000x128xf32, #tpu.memory_space<vmem>>, vector<2000x128xf32>,
    return
  }
  func.func @transform_0(%arg0: i32) -> (i32, i32, i32) {
    %c0_i32 = arith.constant 0 : i32
    %c0_i32_0 = arith.constant 0 : i32
    %c0_i32_1 = arith.constant 0 : i32
    return %c0_i32, %arg0, %c0_i32_0 : i32, i32, i32
  }
  func.func @transform_1(%arg0: i32) -> (i32, i32) {
    %c0_i32 = arith.constant 0 : i32
    %c0_i32_0 = arith.constant 0 : i32
    %c0_i32_1 = arith.constant 0 : i32
    return %c0_i32, %c0_i32_0 : i32, i32
  }
  func.func @transform_2(%arg0: i32) -> (i32, i32) {
    %c0_i32 = arith.constant 0 : i32
    %c0_i32_0 = arith.constant 0 : i32
    %c0_i32_1 = arith.constant 0 : i32
    return %c0_i32, %c0_i32_0 : i32, i32
  }
  func.func @transform_3(%arg0: i32) -> (i32, i32) {
    %c0_i32 = arith.constant 0 : i32
    %c0_i32_0 = arith.constant 0 : i32
    %c0_i32_1 = arith.constant 0 : i32
    return %c0_i32, %c0_i32_0 : i32, i32
  }
  func.func @transform_4(%arg0: i32) -> (i32, i32) {
    %c0_i32 = arith.constant 0 : i32
    %c0_i32_0 = arith.constant 0 : i32
    return %arg0, %c0_i32 : i32, i32
  }
}

module attributes {stable_mosaic.version = 14 : i64} {
  func.func @_tc3_body(%arg0: i32, %arg1: memref<2048x128xf32, #tpu.memory_space<vmem>>, %arg2: memref<2048x128xf32, #tpu.memory_space<vmem>>, %arg3: memref<128x256xf32, #tpu.memory_space<vmem>>, %arg4: memref<1x256xf32, #tpu.memory_space<vmem>>, %arg5: memref<256x256xf32, #tpu.memory_space<vmem>>, %arg6: memref<1x256xf32, #tpu.memory_space<vmem>>, %arg7: memref<256x8xf32, #tpu.memory_space<vmem>>, %arg8: memref<1x8xf32, #tpu.memory_space<vmem>>, %arg9: memref<2048x8xf32, #tpu.memory_space<vmem>>) attributes {dimension_semantics = [#tpu.dimension_semantics<arbitrary>], iteration_bounds = array<i64: 50>, scalar_prefetch = 0 : i64, scratch_operands = 0 : i64, tpu.core_type = #tpu.core_type<tc>, window_params = [{transform_indices = @transform_0, window_bounds = array<i64: 2048, 128>}, {transform_indices = @transform_1, window_bounds = array<i64: 2048, 128>}, {pipeline_mode = #tpu.pipeline_mode<synchronous>, transform_indices = @transform_2, window_bounds = array<i64: 128, 256>}, {pipeline_mode = #tpu.pipeline_mode<synchronous>, transform_indices = @transform_3, window_bounds = array<i64: 1, 256>}, {pipeline_mode = #tpu.pipeline_mode<synchronous>, transform_indices = @transform_4, window_bounds = array<i64: 256, 256>}, {pipeline_mode = #tpu.pipeline_mode<synchronous>, transform_indices = @transform_5, window_bounds = array<i64: 1, 256>}, {pipeline_mode = #tpu.pipeline_mode<synchronous>, transform_indices = @transform_6, window_bounds = array<i64: 256, 8>}, {pipeline_mode = #tpu.pipeline_mode<synchronous>, transform_indices = @transform_7, window_bounds = array<i64: 1, 8>}, {transform_indices = @transform_8, window_bounds = array<i64: 2048, 8>}]} {
    %get3A = arith.constant 0 : index
    %get3A_0 = arith.constant 0 : index
    %get3A_1 = vector.load %arg1[%get3A, %get3A_0] : memref<2048x128xf32, #tpu.memory_space<vmem>>, vector<2048x128xf32>
    %get3A_2 = arith.constant 0 : index
    %get3A_3 = arith.constant 0 : index
    %get3A_4 = vector.load %arg2[%get3A_2, %get3A_3] : memref<2048x128xf32, #tpu.memory_space<vmem>>, vector<2048x128xf32>
    %mul3A = arith.mulf %get3A_1, %get3A_4 : vector<2048x128xf32>
    %get3A_5 = arith.constant 0 : index
    %get3A_6 = arith.constant 0 : index
    %get3A_7 = vector.load %arg3[%get3A_5, %get3A_6] : memref<128x256xf32, #tpu.memory_space<vmem>>, vector<128x256xf32>
    %dot_general3A = arith.constant dense<0.000000e+00> : vector<2048x256xf32>
    %dot_general3A_8 = tpu.matmul %mul3A, %get3A_7, %dot_general3A {dimension_numbers = #tpu.dot_dimension_numbers<[1], [0], [0], [1], [0, 0, 1, 1], [], []>, transpose_lhs_hint = false} : vector<2048x128xf32>, vector<128x256xf32>, vector<2048x256xf32> -> vector<2048x256xf32>
    %get3A_9 = arith.constant 0 : index
    %get3A_10 = arith.constant 0 : index
    %get3A_11 = vector.load %arg4[%get3A_9, %get3A_10] : memref<1x256xf32, #tpu.memory_space<vmem>>, vector<1x256xf32>
    %add3A = vector.broadcast %get3A_11 : vector<1x256xf32> to vector<2048x256xf32>
    %add3A_12 = arith.addf %dot_general3A_8, %add3A : vector<2048x256xf32>
    %max3A = arith.constant 0.000000e+00 : f32
    %max3A_13 = vector.broadcast %max3A : f32 to vector<2048x256xf32>
    %max3A_14 = arith.maximumf %add3A_12, %max3A_13 : vector<2048x256xf32>
    %get3A_15 = arith.constant 0 : index
    %get3A_16 = arith.constant 0 : index
    %get3A_17 = vector.load %arg5[%get3A_15, %get3A_16] : memref<256x256xf32, #tpu.memory_space<vmem>>, vector<256x256xf32>
    %dot_general3A_18 = arith.constant dense<0.000000e+00> : vector<2048x256xf32>
    %dot_general3A_19 = tpu.matmul %max3A_14, %get3A_17, %dot_general3A_18 {dimension_numbers = #tpu.dot_dimension_numbers<[1], [0], [0], [1], [0, 0, 1, 1], [], []>, transpose_lhs_hint = false} : vector<2048x256xf32>, vector<256x256xf32>, vector<2048x256xf32> -> vector<2048x256xf32>
    %get3A_20 = arith.constant 0 : index
    %get3A_21 = arith.constant 0 : index
    %get3A_22 = vector.load %arg6[%get3A_20, %get3A_21] : memref<1x256xf32, #tpu.memory_space<vmem>>, vector<1x256xf32>
    %add3A_23 = vector.broadcast %get3A_22 : vector<1x256xf32> to vector<2048x256xf32>
    %add3A_24 = arith.addf %dot_general3A_19, %add3A_23 : vector<2048x256xf32>
    %max3A_25 = arith.constant 0.000000e+00 : f32
    %max3A_26 = vector.broadcast %max3A_25 : f32 to vector<2048x256xf32>
    %max3A_27 = arith.maximumf %add3A_24, %max3A_26 : vector<2048x256xf32>
    %get3A_28 = arith.constant 0 : index
    %get3A_29 = arith.constant 0 : index
    %get3A_30 = vector.load %arg7[%get3A_28, %get3A_29] : memref<256x8xf32, #tpu.memory_space<vmem>>, vector<256x8xf32>
    %dot_general3A_31 = arith.constant dense<0.000000e+00> : vector<2048x8xf32>
    %dot_general3A_32 = tpu.matmul %max3A_27, %get3A_30, %dot_general3A_31 {dimension_numbers = #tpu.dot_dimension_numbers<[1], [0], [0], [1], [0, 0, 1, 1], [], []>, transpose_lhs_hint = false} : vector<2048x256xf32>, vector<256x8xf32>, vector<2048x8xf32> -> vector<2048x8xf32>
    %get3A_33 = arith.constant 0 : index
    %get3A_34 = arith.constant 0 : index
    %get3A_35 = vector.load %arg8[%get3A_33, %get3A_34] : memref<1x8xf32, #tpu.memory_space<vmem>>, vector<1x8xf32>
    %add3A_36 = vector.broadcast %get3A_35 : vector<1x8xf32> to vector<2048x8xf32>
    %add3A_37 = arith.addf %dot_general3A_32, %add3A_36 : vector<2048x8xf32>
    %logistic3A = arith.negf %add3A_37 : vector<2048x8xf32>
    %logistic3A_38 = math.exp %logistic3A : vector<2048x8xf32>
    %logistic3A_39 = arith.constant 1.000000e+00 : f32
    %logistic3A_40 = vector.broadcast %logistic3A_39 : f32 to vector<2048x8xf32>
    %logistic3A_41 = arith.addf %logistic3A_40, %logistic3A_38 : vector<2048x8xf32>
    %logistic3A_42 = arith.divf %logistic3A_40, %logistic3A_41 : vector<2048x8xf32>
    %swap3A = arith.constant 0 : index
    %swap3A_43 = arith.constant 0 : index
    %swap3A_44 = vector.load %arg9[%swap3A, %swap3A_43] : memref<2048x8xf32, #tpu.memory_space<vmem>>, vector<2048x8xf32>
    tpu.vector_store %arg9[%swap3A, %swap3A_43], %logistic3A_42 {strides = array<i32>} : memref<2048x8xf32, #tpu.memory_space<vmem>>, vector<2048x8xf32>,
    return
  }
  func.func @transform_0(%arg0: i32) -> (i32, i32) {
    %c0_i32 = arith.constant 0 : i32
    %c0_i32_0 = arith.constant 0 : i32
    return %arg0, %c0_i32 : i32, i32
  }
  func.func @transform_1(%arg0: i32) -> (i32, i32) {
    %add3A = arith.constant 50 : i32
    %add3A_0 = arith.addi %arg0, %add3A : i32
    %c0_i32 = arith.constant 0 : i32
    %c0_i32_1 = arith.constant 0 : i32
    return %add3A_0, %c0_i32 : i32, i32
  }
  func.func @transform_2(%arg0: i32) -> (i32, i32) {
    %c0_i32 = arith.constant 0 : i32
    %c0_i32_0 = arith.constant 0 : i32
    %c0_i32_1 = arith.constant 0 : i32
    return %c0_i32, %c0_i32_0 : i32, i32
  }
  func.func @transform_3(%arg0: i32) -> (i32, i32) {
    %c0_i32 = arith.constant 0 : i32
    %c0_i32_0 = arith.constant 0 : i32
    %c0_i32_1 = arith.constant 0 : i32
    return %c0_i32, %c0_i32_0 : i32, i32
  }
  func.func @transform_4(%arg0: i32) -> (i32, i32) {
    %c0_i32 = arith.constant 0 : i32
    %c0_i32_0 = arith.constant 0 : i32
    %c0_i32_1 = arith.constant 0 : i32
    return %c0_i32, %c0_i32_0 : i32, i32
  }
  func.func @transform_5(%arg0: i32) -> (i32, i32) {
    %c0_i32 = arith.constant 0 : i32
    %c0_i32_0 = arith.constant 0 : i32
    %c0_i32_1 = arith.constant 0 : i32
    return %c0_i32, %c0_i32_0 : i32, i32
  }
  func.func @transform_6(%arg0: i32) -> (i32, i32) {
    %c0_i32 = arith.constant 0 : i32
    %c0_i32_0 = arith.constant 0 : i32
    %c0_i32_1 = arith.constant 0 : i32
    return %c0_i32, %c0_i32_0 : i32, i32
  }
  func.func @transform_7(%arg0: i32) -> (i32, i32) {
    %c0_i32 = arith.constant 0 : i32
    %c0_i32_0 = arith.constant 0 : i32
    %c0_i32_1 = arith.constant 0 : i32
    return %c0_i32, %c0_i32_0 : i32, i32
  }
  func.func @transform_8(%arg0: i32) -> (i32, i32) {
    %c0_i32 = arith.constant 0 : i32
    %c0_i32_0 = arith.constant 0 : i32
    return %arg0, %c0_i32 : i32, i32
  }
}

</mosaic_0001>

<sc_bundles>
// kernel: kernel.12.cloned.1.call-start
scs
__scs_entry_jumppad:
0x0: {  	(pc) =	sbr.rel $0x88, $3  }
0x1: {  	(tag) =	ssettag $0x0;
	lr =	simm.s32 $0x1  }
0x2: {  	[smem:$0x3F92] =	sst lr;
	_ =	strace $0xD0000000  }
0x3: {  	_ = 	snop  }
0x4: {  	_ = 	snop  }
0x5: {  	_ = 	snop  }
0x6: {  	_ = 	snop  }
0x7: {  	_ = 	snop  }
__scs_overlays_trampoline_lowered:
0x8: {  	[smem:$0x3FA1] =	sst s0  }
0x9: {  	[smem:$0x3FA2] =	sst s1  }
0xa: {  	[smem:$0x3FA3] =	sst s2  }
0xb: {  	[smem:$0x3FA4] =	sst s3  }
0xc: {  	[smem:$0x3FA5] =	sst s4  }
0xd: {  	[smem:$0x3FA6] =	sst s5  }
0xe: {  	[smem:$0x3FA7] =	sst s6  }
0xf: {  	[smem:$0x3FA8] =	sst s7  }
0x10: {  	[smem:$0x3FA9] =	sst s8  }
0x11: {  	[smem:$0x3FAA] =	sst s9;
	s0 =	simm.s32 @!p0 $0x0  }
0x12: {  	s1 =	sld [smem:$0x3F90];
	s0 =	simm.s32 @p0 $0x1  }
0x13: {  	[smem:$0x3FAB] =	sst s0;
	s0 =	simm.s32 @!p1 $0x0  }
0x14: {  	s2 =	sld [smem:$0x3F8F];
	s0 =	simm.s32 @p1 $0x1  }
0x15: {  	[smem:$0x3FAC] =	sst s0;
	s0 =	simm.s32 @!p2 $0x0  }
0x16: {  	s3 =	sld [smem:$0x3FDB];
	s0 =	simm.s32 @p2 $0x1  }
0x17: {  	s4 =	simm.s32 $0x1BF5;
	[smem:$0x3FAE] =	sst s0  }
0x18: {  	s0 =	sld [smem:$0x3F91];
	_ =	swait.ge [sflag:s4], $0x0  }
0x19: {  	s7 =	sld [smem:$0x3F92]  }
0x1a: {  	s8 =	sadd.s32 $0xFFFFE003, lr  }
0x1b: {  	s9 =	sadd.s32 $0xFFFFFEF7, lr;
	s5 =	simm.s32 $0xFFFFFFFF;
	p2 =	slt.u32 s8, $0xFFFFF086  }
0x1c: {  	p1 =	slt.u32 s9, $0xF7A;
	s5 =	simm.s32 @!p2 $0x0  }
0x1d: {  	s5 =	simm.s32 @p1 $0x1;
	p0 =	seq.s32 s7, s2  }
0x1e: {  	s7 =	smul.u32 @!p0 $0xF7A, s2;
	p2 =	seq.s32 @!p0 s5, $0x0  }
0x1f: {  	s9 =	smul.u32 $0xF7A, s1;
	s8 =	simm.s32 @!p0 $0x1BF5;
	p2 =	por !p2, p0  }
0x20: {  	[sflag:s8] =	ssyncset.s32 @!p0 $0xFFFFF086;
	s6 =	sadd.s32 @!p0 s3, s7;
	s7 =	simm.s32 @!p0 $0x108  }
0x21: {  	s3 =	sadd.s32 s3, s9;
	s6 =	sadd.s32 @!p0 $0x88, s6;
	s7 =	simm.s32 @p2 $0x1082  }
0x22: {  	[simem:s7], [sflag:s8] =	dma.local @!p0 [hbm:s6], $0xF7A  }
0x23: {  	s9 =	sor.u32 $0xD0000000, s2;
	s6 =	simm.s32 $0x108;
	_ =	swait.ge @!p0 [sflag:s8], $0x0  }
0x24: {  	s3 =	sadd.s32 $0x88, s3;
	s6 =	simm.s32 @!p1 $0x1082;
	[sflag:s4] =	ssyncset.s32 $0xFFFFF086  }
0x25: {  	[simem:s6], [sflag:s4] =	dma.local [hbm:s3], $0xF7A  }
0x26: {  	[smem:$0x3F92] =	sst s1;
	(tag) =	ssettag s2;
	_ =	strace s9  }
0x27: {  	s1 =	sld [smem:$0x3FA2]  }
0x28: {  	s2 =	sld [smem:$0x3FA3]  }
0x29: {  	s4 =	sld [smem:$0x3FA5]  }
0x2a: {  	p0 =	seq.s32 s5, $0x0;
	s5 =	sld [smem:$0x3FA6]  }
0x2b: {  	s6 =	sld [smem:$0x3FA7]  }
0x2c: {  	s7 =	sld [smem:$0x3FA8]  }
0x2d: {  	s3 =	simm.s32 $0x108;
	s8 =	sld [smem:$0x3FA9]  }
0x2e: {  	s3 =	simm.s32 @!p0 $0x1082;
	s9 =	sld [smem:$0x3FAA]  }
0x2f: {  	lr =	sadd.s32 s0, s3;
	s0 =	sld [smem:$0x3FA1]  }
0x30: {  	s3 =	sld [smem:$0x3FA4]  }
0x31: {  	[smem:$0x3FAD] =	sst s10  }
0x32: {  	s10 =	sld [smem:$0x3FAB];
	_ =	sdelay $0x3  }
0x33: {  	p0 =	seq.s32 s10, $0x1;
	s10 =	sld [smem:$0x3FAD];
	_ =	sdelay $0x3  }
0x34: {  	[smem:$0x3FAD] =	sst s10  }
0x35: {  	s10 =	sld [smem:$0x3FAC];
	_ =	sdelay $0x3  }
0x36: {  	p1 =	seq.s32 s10, $0x1;
	s10 =	sld [smem:$0x3FAD];
	_ =	sdelay $0x3  }
0x37: {  	[smem:$0x3FAD] =	sst s10  }
0x38: {  	s10 =	sld [smem:$0x3FAE]  }
0x39: {  	_ = 	snop;
	(pc) =	sbr.ind lr, $3  }
0x3a: {  	_ = 	snop  }
0x3b: {  	_ = 	snop  }
0x3c: {  	p2 =	seq.s32 s10, $0x1;
	s10 =	sld [smem:$0x3FAD]  }
0x3d: {  	_ =	shalt  }
0x3e: {  	_ =	shalt  }
0x3f: {  	_ =	shalt  }
0x40: {  	_ =	shalt  }
0x41: {  	_ =	shalt  }
0x42: {  	_ =	shalt  }
0x43: {  	_ =	shalt  }
0x44: {  	_ =	shalt  }
0x45: {  	_ =	shalt  }
0x46: {  	_ =	shalt  }
0x47: {  	_ =	shalt  }
0x48: {  	_ =	shalt  }
0x49: {  	_ =	shalt  }
0x4a: {  	_ =	shalt  }
0x4b: {  	_ =	shalt  }
0x4c: {  	_ =	shalt  }
0x4d: {  	_ =	shalt  }
0x4e: {  	_ =	shalt  }
0x4f: {  	_ =	shalt  }
0x50: {  	_ =	shalt  }
0x51: {  	_ =	shalt  }
0x52: {  	_ =	shalt  }
0x53: {  	_ =	shalt  }
0x54: {  	_ =	shalt  }
0x55: {  	_ =	shalt  }
0x56: {  	_ =	shalt  }
0x57: {  	_ =	shalt  }
0x58: {  	_ =	shalt  }
0x59: {  	_ =	shalt  }
0x5a: {  	_ =	shalt  }
0x5b: {  	_ =	shalt  }
0x5c: {  	_ =	shalt  }
0x5d: {  	_ =	shalt  }
0x5e: {  	_ =	shalt  }
0x5f: {  	_ =	shalt  }
0x60: {  	_ =	shalt  }
0x61: {  	_ =	shalt  }
0x62: {  	_ =	shalt  }
0x63: {  	_ =	shalt  }
0x64: {  	_ =	shalt  }
0x65: {  	_ =	shalt  }
0x66: {  	_ =	shalt  }
0x67: {  	_ =	shalt  }
0x68: {  	_ =	shalt  }
0x69: {  	_ =	shalt  }
0x6a: {  	_ =	shalt  }
0x6b: {  	_ =	shalt  }
0x6c: {  	_ =	shalt  }
0x6d: {  	_ =	shalt  }
0x6e: {  	_ =	shalt  }
0x6f: {  	_ =	shalt  }
0x70: {  	_ =	shalt  }
0x71: {  	_ =	shalt  }
0x72: {  	_ =	shalt  }
0x73: {  	_ =	shalt  }
0x74: {  	_ =	shalt  }
0x75: {  	_ =	shalt  }
0x76: {  	_ =	shalt  }
0x77: {  	_ =	shalt  }
0x78: {  	_ =	shalt  }
0x79: {  	_ =	shalt  }
0x7a: {  	_ =	shalt  }
0x7b: {  	_ =	shalt  }
0x7c: {  	_ =	shalt  }
0x7d: {  	_ =	shalt  }
0x7e: {  	_ =	shalt  }
0x7f: {  	_ =	shalt  }
0x80: {  	_ =	shalt  }
0x81: {  	_ =	shalt  }
0x82: {  	_ =	shalt  }
0x83: {  	_ =	shalt  }
0x84: {  	_ =	shalt  }
0x85: {  	_ =	shalt  }
0x86: {  	_ =	shalt  }
0x87: {  	_ =	shalt  }
.Lfunc_end0:
.L_simem_size_0:
called_computation.1_lowered:
.L_overlay_start_0:
0x88: {  	s2 =	sld [smem:$0x3FD9]  }
0x89: {  	s3 =	sld [smem:$0x3FFE];
	_ =	sdelay $0x1  }
0x8a: {  	s1 =	srdreg.scid  }
0x8b: {  	s0 =	sand.u32 $0x1, s1  }
0x8c: {  	s16 =	sshll.u32 s0, $0xA;
	s2 =	sadd.s32 s3, s2  }
0x8d: {  	s2 =	sadd.s32 s2, s16  }
0x8e: {  	[smem:$0x3FB9] =	sst s2  }
0x8f: {  	_ = 	snop  }
0x90: {  	(tm) =	ssettm $0x1  }
0x91: {  	s17 =	sld [smem:$0x3FFB];
	_ =	sdelay $0x3  }
0x92: {  	_ =	strace s17  }
0x93: {  	s2 =	sld [smem:$0x3FFC];
	_ =	sdelay $0x3  }
0x94: {  	_ =	strace s2  }
0x95: {  	s2 =	sld [smem:$0x3FFD];
	_ =	sdelay $0x3  }
0x96: {  	_ =	strace s2  }
0x97: {  	_ =	strace $0x8FFFFFFF  }
0x98: {  	s18 =	sld [smem:$0x3FDB];
	_ =	sdelay $0x1  }
0x99: {  	s19 =	simm.s32 $_scs_section_size  }
0x9a: {  	s4 =	simm.s32 $_size__tile_overlayer_lowered;
	s5 =	simm.s32 $_tile_overlayer_lowered  }
0x9b: {  	s22 =	simm.s32 $0x1BFF;
	s21 =	sshll.u32 s5, $0x1;
	s2 =	sadd.s32 s19, s18  }
0x9c: {  	s6 =	simm.s32 $0x0;
	s20 =	sshll.u32 s4, $0x1;
	s4 =	sadd.s32 s21, s2  }
0x9d: {  	[timem:s6], [sflag:s22] =	dma.local [hbm:s4], s20  }
0x9e: {  	_ =	swait.ge [sflag:s22], s20  }
0x9f: {  	s3 =	ssub.s32 $0x0, s20;
	[sflag:s22] =	ssyncset.done $0x0  }
0xa0: {  	[sflag:s22] =	ssyncadd.s32 s3;
	_ =	sdelay $0x1  }
0xa1: {  	s23 =	simm.s32 $0x1B8B  }
0xa2: {  	_ =	swait.ge [sflag:s23], $0x1  }
0xa3: {  	[sflag:s23] =	ssyncset.done $0x0  }
0xa4: {  	s25 =	simm.s32 $0x1B8E;
	s24 =	sld [smem:$0x3FFE];
	[sflag:s23] =	ssyncadd.s32 $0xFFFFFFFF  }
0xa5: {  	s26 =	simm.s32 $execute0_lowered;
	[smem:$0x3FD2] =	sst s25  }
0xa6: {  	s4 =	sshll.u32 s26, $0x1;
	_ =	strace $0x80000049;
	[dreg:$0x1] =	wrdreg $0xFFFFFFFF  }
0xa7: {  	s28 =	simm.s32 $_size_execute0_lowered;
	s2 =	sadd.s32 s2, s4;
	[dreg:$0x0] =	wrdreg $0x0  }
0xa8: {  	s4 =	sshll.u32 s28, $0x1;
	[dreg:$0x2] =	wrdreg s2  }
0xa9: {  	[dreg:$0x3] =	wrdreg s4  }
0xaa: {  	[dreg:$0x4] =	wrdreg $0xC0  }
0xab: {  	_ =	task [dreg:s6], $0x5FFFF  }
0xac: {  	[dreg:$0x1] =	wrdreg $0xFFFFFFFF  }
0xad: {  	[dreg:$0x0] =	wrdreg $0x60  }
0xae: {  	[dreg:$0x2] =	wrdreg s24  }
0xaf: {  	[dreg:$0x3] =	wrdreg $0x41000  }
0xb0: {  	[dreg:$0x4] =	wrdreg $0x9  }
0xb1: {  	_ =	task.clear_ibuf [dreg:s6], $0x5FFFF;
	_ =	strace $0x90000049  }
0xb2: {  	s29 =	simm.s32 $0x9;
	_ =	strace $0x8000004B  }
0xb3: {  	_ =	swait.ge [sflag:s29], $0x1  }
0xb4: {  	[sflag:s29] =	ssyncadd.s32 $0xFFFFFFFF  }
0xb5: {  	_ =	strace $0x9000004B  }
0xb6: {  	_ =	sfence  }
0xb7: {  	s30 =	sld [smem:$0x0];
	_ =	sdelay $0x2  }
0xb8: {  	s31 =	sshll.u32 s1, $0xD;
	s1 =	sshrl.u32 s1, $0x2  }
0xb9: {  	s3 =	sand.u32 $0x4000, s31;
	s1 =	sadd.s32 s1, s30  }
0xba: {  	s0 =	sor.u32 s3, s0;
	s1 =	sshll.u32 s1, $0x11  }
0xbb: {  	s0 =	sor.u32 s1, s0  }
0xbc: {  	s0 =	sadd.s32 $0x8F2B, s0  }
0xbd: {  	[sflag:s0] =	ssyncadd.remote.s32 $0x1  }
0xbe: {  	_ =	sfence.sel $0xFFFF  }
0xbf: {  	[dreg:$0x0] =	wrdreg $0xFFFFFFFF;
	(pc) =	sbr.abs _section_cstart, $3  }
0xc0: {  	[dreg:$0x1] =	wrdreg $0xFFFFFFFF  }
0xc1: {  	_ =	task.clear_ibuf [dreg:s6], $0x2FFFF;
	_ =	strace $0x9FFFFFFF  }
0xc2: {  	(tm) =	ssettm $0x7FFFFFFF  }
0xc3: {  	_ =	shalt  }
tec
execute0_lowered:
.L_overlay_start_1:
0x0: {  	(tag) =	ssettag $0x1  }
0x1: {  	s5 =	rddreg [dreg:$0x0]  }
0x2: {  	s0 =	srdreg.scid;
	s2 =	rddreg [dreg:$0x1]  }
0x3: {  	s1 =	rddreg [dreg:$0x2];
	s3 =	simm.s32 $0x0;
	s6 =	sand.u32 $0x1, s0  }
0x4: {  	s12 =	simm.s32 $0x2;
	s0 =	stileid.u32;
	s7 =	smul.u32 $0x4E800, s6  }
0x5: {  	s13 =	simm.s32 $0x80;
	s14 =	simm.s32 $0x100;
	s8 =	smul.u32 $0x4E80, s0  }
0x6: {  	s15 =	simm.s32 $0x1;
	s16 =	simm.s32 $0x0;
	s9 =	smul.u32 $0x2780, s6  }
0x7: {  	[smem:$0x7FF] =	sst s3;
	s4 =	sadd.s32 $0x64C00, s5;
	s10 =	smul.u32 $0x278, s0  }
0x8: {  	_ =	strace $0x8000004A;
	s24 =	smul.u32 $0x4F000, s0;
	s6 =	ssub.s32 $0x2, s6  }
0x9: {  	s31 =	sshll.u32 s0, $0x6;
	s28 =	sshrl.u32 s6, $0x1;
	s7 =	sadd.s32 s8, s7  }
0xa: {  	s23 =	sadd.s32 s10, s9;
	s29 =	sshrl.u32 s24, $0x2;
	s30 =	ssub.s32 s6, s28  }
0xb: {  	s6 =	sor.u32 $0x1C02, s31;
	s7 =	sshrl.u32 s7, $0x3;
	s26 =	sshll.u32 s23, $0x4  }
0xc: {  	s11 =	sadd.s32 s29, s2;
	s25 =	sadd.s32 s7, s5;
	s7 =	sadd.s32 s26, s5  }
0xd: {  	s8 =	smax.u32 s30, $0x1;
	s11 =	sshrl.u32 s11, $0x3;
	s5 =	sadd.s32 $0x15C00, s7  }
0xe: {  	s7 =	sadd.s32 $0xDB000, s7;
	s9 =	sadd.s32 $0xB3C00, s25;
	s10 =	sadd.s32 $0xC7600, s25  }
.LBB2_1:
0xf: {  	[spmem:s11], [sflag:s6] =	dma.local [hbm:s5], $0x2780  }
0x10: {  	_ =	swait.ge [sflag:s12], $0x2780  }
0x11: {  	[sflag:s12] =	ssyncset.done $0x0  }
0x12: {  	[sflag:s12] =	ssyncadd.s32 $0xFFFFD880  }
0x13: {  	s17 =	sadd.s32 $0x0, s10;
	[bflag:$0x0] =	sbarrier.arrive $0xFFFF  }
0x14: {  	[tilespmem:s3], [sflag:$0x2] =	stream.linear.gather [hbm4b:s17+s3], $0x80, $0x38;
	[tilespmem:$0x17D00] =	vst v63  }
0x15: {  	_ =	swait.ge [sflag:s12], $0x80  }
0x16: {  	[sflag:s12] =	ssyncset.done $0x0  }
0x17: {  	s31 =	sadd.s32 $0x0, s9;
	[sflag:s12] =	ssyncadd.s32 $0xFFFFFF80  }
0x18: {  	[tilespmem:s13], [sflag:$0x2] =	stream.linear.gather [hbm4b:s31+s3], $0x80, $0x38;
	[tilespmem:$0x17D00] =	vst v63  }
0x19: {  	_ =	swait.ge [sflag:s12], $0x80  }
0x1a: {  	[sflag:s12] =	ssyncset.done $0x0  }
0x1b: {  	[sflag:s12] =	ssyncadd.s32 $0xFFFFFF80  }
0x1c: {  	[tilespmem:s14], [sflag:$0x1] =	stream.indirect.gather [hbm4b:s4+s13], $0x80, s3, s13, $0xb8;
	[tilespmem:$0x17D00] =	vst v63  }
0x1d: {  	_ =	swait.ge [sflag:s15], $0x4000  }
0x1e: {  	[sflag:s15] =	ssyncset.done $0x0  }
0x1f: {  	[sflag:s15] =	ssyncadd.s32 $0xFFFFC000  }
0x20: {  	[spmem:s2] =	stream.indirect.scatter.add.f32 [tilespmem:s14], [sflag:$0x2], $0x80, s13, s13, $0xb8;
	[tilespmem:$0x17D00] =	vst v63  }
0x21: {  	_ =	swait.ge [sflag:s12], $0x4000  }
0x22: {  	s18 =	simm.s32 $0x20;
	s17 =	simm.s32 $0x10;
	[sflag:s12] =	ssyncset.done $0x0  }
.LBB2_2:
0x23: {  	s19 =	sadd.s32 s17, s10  }
0x24: {  	[sflag:s12] =	ssyncadd.s32 $0xFFFFC000;
	s20 =	smov.u32 s18;
	s21 =	sadd.s32 $0x10, s18  }
0x25: {  	[tilespmem:s3], [sflag:$0x2] =	stream.linear.gather [hbm4b:s19+s3], $0x80, $0x38;
	[tilespmem:$0x17D00] =	vst v63  }
0x26: {  	p0 =	sne.s32 s18, $0x9C0;
	_ =	swait.ge [sflag:s12], $0x80  }
0x27: {  	[sflag:s12] =	ssyncset.done $0x0  }
0x28: {  	s18 =	sadd.s32 s17, s9;
	s17 =	smov.u32 s20;
	[sflag:s12] =	ssyncadd.s32 $0xFFFFFF80  }
0x29: {  	[tilespmem:s13], [sflag:$0x2] =	stream.linear.gather [hbm4b:s18+s3], $0x80, $0x38;
	[tilespmem:$0x17D00] =	vst v63  }
0x2a: {  	_ =	swait.ge [sflag:s12], $0x80  }
0x2b: {  	[sflag:s12] =	ssyncset.done $0x0  }
0x2c: {  	[sflag:s12] =	ssyncadd.s32 $0xFFFFFF80  }
0x2d: {  	[tilespmem:s14], [sflag:$0x1] =	stream.indirect.gather [hbm4b:s4+s13], $0x80, s3, s13, $0xb8;
	[tilespmem:$0x17D00] =	vst v63  }
0x2e: {  	_ =	swait.ge [sflag:s15], $0x4000  }
.Ltmp0:
0x2f: {  	[sflag:s15] =	ssyncset.done $0x0;
	(pc) =	sbr.rel @p0 .LBB2_2-.Ltmp0, $4  }
0x30: {  	[sflag:s15] =	ssyncadd.s32 $0xFFFFC000  }
0x31: {  	[spmem:s2] =	stream.indirect.scatter.add.f32 [tilespmem:s14], [sflag:$0x2], $0x80, s13, s13, $0xb8;
	[tilespmem:$0x17D00] =	vst v63  }
0x32: {  	_ =	swait.ge [sflag:s12], $0x4000  }
0x33: {  	s18 =	smov.u32 s21;
	[sflag:s12] =	ssyncset.done $0x0  }
0x34: {  	s18 =	sadd.s32 s17, s10;
	[sflag:s12] =	ssyncadd.s32 $0xFFFFC000  }
0x35: {  	[tilespmem:s3], [sflag:$0x2] =	stream.linear.gather [hbm4b:s18+s3], $0x80, $0x38;
	[tilespmem:$0x17D00] =	vst v63  }
0x36: {  	_ =	swait.ge [sflag:s12], $0x80  }
0x37: {  	[sflag:s12] =	ssyncset.done $0x0  }
0x38: {  	s31 =	sadd.s32 s17, s9;
	[sflag:s12] =	ssyncadd.s32 $0xFFFFFF80  }
0x39: {  	[tilespmem:s13], [sflag:$0x2] =	stream.linear.gather [hbm4b:s31+s3], $0x80, $0x38;
	[tilespmem:$0x17D00] =	vst v63  }
0x3a: {  	_ =	swait.ge [sflag:s12], $0x80  }
0x3b: {  	[sflag:s12] =	ssyncset.done $0x0  }
0x3c: {  	[sflag:s12] =	ssyncadd.s32 $0xFFFFFF80  }
0x3d: {  	[tilespmem:s14], [sflag:$0x1] =	stream.indirect.gather [hbm4b:s4+s13], $0x80, s3, s13, $0xb8;
	[tilespmem:$0x17D00] =	vst v63  }
0x3e: {  	_ =	swait.ge [sflag:s15], $0x4000  }
0x3f: {  	[sflag:s15] =	ssyncset.done $0x0  }
0x40: {  	[sflag:s15] =	ssyncadd.s32 $0xFFFFC000  }
0x41: {  	[spmem:s2] =	stream.indirect.scatter.add.f32 [tilespmem:s14], [sflag:$0x2], $0x80, s13, s13, $0xb8;
	[tilespmem:$0x17D00] =	vst v63  }
0x42: {  	_ =	swait.ge [sflag:s12], $0x4000  }
0x43: {  	s16 =	sadd.s32 $0x1, s16;
	[sflag:s12] =	ssyncset.done $0x0  }
0x44: {  	p0 =	sne.s32 s16, s8;
	[sflag:s12] =	ssyncadd.s32 $0xFFFFC000  }
.Ltmp1:
0x45: {  	[bflag:$0x0] =	sbarrier.arrive $0xFFFF;
	(pc) =	sbr.rel @p0 .LBB2_1-.Ltmp1, $4  }
0x46: {  	[hbm:s7], [sflag:s6] =	dma.local [spmem:s11], $0x2780  }
0x47: {  	_ =	swait.ge [sflag:s12], $0x2780  }
0x48: {  	[sflag:s12] =	ssyncset.done $0x0  }
0x49: {  	[sflag:s12] =	ssyncadd.s32 $0xFFFFD880  }
0x4a: {  	_ =	sfence.sel $0x180000  }
0x4b: {  	[bflag:$0x0] =	sbarrier.arrive $0xFFFF  }
0x4c: {  	p0 =	sne.s32 s0, $0x0;
	_ =	strace $0x9000004A  }
0x4d: {  	s0 =	sadd.s32 @!p0 $0x100000, s1;
	[bflag:$0x2] =	sbarrier.arrive $0xFFFF  }
0x4e: {  	[sflag:s0] =	ssyncadd.tile.s32 @!p0 $0x1;
	_ =	shalt  }
.Lfunc_end2:
_tile_overlayer_lowered:
.L_overlay_start_2:
0x4f: {  	(tag) =	ssettag $0x2  }
0x50: {  	s0 =	rddreg [dreg:$0x0];
	s2 =	stileid.u32  }
0x51: {  	s1 =	rddreg [dreg:$0x1];
	p0 =	sne.s32 s2, $0x0  }
0x52: {  	s3 =	rddreg [dreg:$0x2];
	[bflag:$0x3] =	sbarrier.arrive $0xFFFF;
	s2 =	simm.s32 @!p0 $0x1C02  }
0x53: {  	[timem:s3], [sflag:s2] =	dma.local @!p0 [hbm:s0], s1  }
0x54: {  	s0 =	simm.s32 @!p0 $0x2  }
0x55: {  	_ =	swait.ge @!p0 [sflag:s0], s1  }
0x56: {  	s1 =	ssub.s32 @!p0 $0x0, s1;
	[sflag:s0] =	ssyncset.done @!p0 $0x0  }
0x57: {  	[sflag:s0] =	ssyncadd.s32 @!p0 s1  }
0x58: {  	[bflag:$0x3] =	sbarrier.arrive $0xFFFF  }
0x59: {  	_ =	shalt  }

// kernel: kernel.15.cloned.1.call-start
scs
__scs_entry_jumppad:
0x0: {  	(pc) =	sbr.rel $0x88, $3  }
0x1: {  	(tag) =	ssettag $0x0;
	lr =	simm.s32 $0x1  }
0x2: {  	[smem:$0x3F92] =	sst lr;
	_ =	strace $0xD0000000  }
0x3: {  	_ = 	snop  }
0x4: {  	_ = 	snop  }
0x5: {  	_ = 	snop  }
0x6: {  	_ = 	snop  }
0x7: {  	_ = 	snop  }
__scs_overlays_trampoline_lowered:
0x8: {  	[smem:$0x3FA1] =	sst s0  }
0x9: {  	[smem:$0x3FA2] =	sst s1  }
0xa: {  	[smem:$0x3FA3] =	sst s2  }
0xb: {  	[smem:$0x3FA4] =	sst s3  }
0xc: {  	[smem:$0x3FA5] =	sst s4  }
0xd: {  	[smem:$0x3FA6] =	sst s5  }
0xe: {  	[smem:$0x3FA7] =	sst s6  }
0xf: {  	[smem:$0x3FA8] =	sst s7  }
0x10: {  	[smem:$0x3FA9] =	sst s8  }
0x11: {  	[smem:$0x3FAA] =	sst s9;
	s0 =	simm.s32 @!p0 $0x0  }
0x12: {  	s1 =	sld [smem:$0x3F90];
	s0 =	simm.s32 @p0 $0x1  }
0x13: {  	[smem:$0x3FAB] =	sst s0;
	s0 =	simm.s32 @!p1 $0x0  }
0x14: {  	s2 =	sld [smem:$0x3F8F];
	s0 =	simm.s32 @p1 $0x1  }
0x15: {  	[smem:$0x3FAC] =	sst s0;
	s0 =	simm.s32 @!p2 $0x0  }
0x16: {  	s3 =	sld [smem:$0x3FDB];
	s0 =	simm.s32 @p2 $0x1  }
0x17: {  	s4 =	simm.s32 $0x1BF5;
	[smem:$0x3FAE] =	sst s0  }
0x18: {  	s0 =	sld [smem:$0x3F91];
	_ =	swait.ge [sflag:s4], $0x0  }
0x19: {  	s7 =	sld [smem:$0x3F92]  }
0x1a: {  	s8 =	sadd.s32 $0xFFFFE003, lr  }
0x1b: {  	s9 =	sadd.s32 $0xFFFFFEF7, lr;
	s5 =	simm.s32 $0xFFFFFFFF;
	p2 =	slt.u32 s8, $0xFFFFF086  }
0x1c: {  	p1 =	slt.u32 s9, $0xF7A;
	s5 =	simm.s32 @!p2 $0x0  }
0x1d: {  	s5 =	simm.s32 @p1 $0x1;
	p0 =	seq.s32 s7, s2  }
0x1e: {  	s7 =	smul.u32 @!p0 $0xF7A, s2;
	p2 =	seq.s32 @!p0 s5, $0x0  }
0x1f: {  	s9 =	smul.u32 $0xF7A, s1;
	s8 =	simm.s32 @!p0 $0x1BF5;
	p2 =	por !p2, p0  }
0x20: {  	[sflag:s8] =	ssyncset.s32 @!p0 $0xFFFFF086;
	s6 =	sadd.s32 @!p0 s3, s7;
	s7 =	simm.s32 @!p0 $0x108  }
0x21: {  	s3 =	sadd.s32 s3, s9;
	s6 =	sadd.s32 @!p0 $0x88, s6;
	s7 =	simm.s32 @p2 $0x1082  }
0x22: {  	[simem:s7], [sflag:s8] =	dma.local @!p0 [hbm:s6], $0xF7A  }
0x23: {  	s9 =	sor.u32 $0xD0000000, s2;
	s6 =	simm.s32 $0x108;
	_ =	swait.ge @!p0 [sflag:s8], $0x0  }
0x24: {  	s3 =	sadd.s32 $0x88, s3;
	s6 =	simm.s32 @!p1 $0x1082;
	[sflag:s4] =	ssyncset.s32 $0xFFFFF086  }
0x25: {  	[simem:s6], [sflag:s4] =	dma.local [hbm:s3], $0xF7A  }
0x26: {  	[smem:$0x3F92] =	sst s1;
	(tag) =	ssettag s2;
	_ =	strace s9  }
0x27: {  	s1 =	sld [smem:$0x3FA2]  }
0x28: {  	s2 =	sld [smem:$0x3FA3]  }
0x29: {  	s4 =	sld [smem:$0x3FA5]  }
0x2a: {  	p0 =	seq.s32 s5, $0x0;
	s5 =	sld [smem:$0x3FA6]  }
0x2b: {  	s6 =	sld [smem:$0x3FA7]  }
0x2c: {  	s7 =	sld [smem:$0x3FA8]  }
0x2d: {  	s3 =	simm.s32 $0x108;
	s8 =	sld [smem:$0x3FA9]  }
0x2e: {  	s3 =	simm.s32 @!p0 $0x1082;
	s9 =	sld [smem:$0x3FAA]  }
0x2f: {  	lr =	sadd.s32 s0, s3;
	s0 =	sld [smem:$0x3FA1]  }
0x30: {  	s3 =	sld [smem:$0x3FA4]  }
0x31: {  	[smem:$0x3FAD] =	sst s10  }
0x32: {  	s10 =	sld [smem:$0x3FAB];
	_ =	sdelay $0x3  }
0x33: {  	p0 =	seq.s32 s10, $0x1;
	s10 =	sld [smem:$0x3FAD];
	_ =	sdelay $0x3  }
0x34: {  	[smem:$0x3FAD] =	sst s10  }
0x35: {  	s10 =	sld [smem:$0x3FAC];
	_ =	sdelay $0x3  }
0x36: {  	p1 =	seq.s32 s10, $0x1;
	s10 =	sld [smem:$0x3FAD];
	_ =	sdelay $0x3  }
0x37: {  	[smem:$0x3FAD] =	sst s10  }
0x38: {  	s10 =	sld [smem:$0x3FAE]  }
0x39: {  	_ = 	snop;
	(pc) =	sbr.ind lr, $3  }
0x3a: {  	_ = 	snop  }
0x3b: {  	_ = 	snop  }
0x3c: {  	p2 =	seq.s32 s10, $0x1;
	s10 =	sld [smem:$0x3FAD]  }
0x3d: {  	_ =	shalt  }
0x3e: {  	_ =	shalt  }
0x3f: {  	_ =	shalt  }
0x40: {  	_ =	shalt  }
0x41: {  	_ =	shalt  }
0x42: {  	_ =	shalt  }
0x43: {  	_ =	shalt  }
0x44: {  	_ =	shalt  }
0x45: {  	_ =	shalt  }
0x46: {  	_ =	shalt  }
0x47: {  	_ =	shalt  }
0x48: {  	_ =	shalt  }
0x49: {  	_ =	shalt  }
0x4a: {  	_ =	shalt  }
0x4b: {  	_ =	shalt  }
0x4c: {  	_ =	shalt  }
0x4d: {  	_ =	shalt  }
0x4e: {  	_ =	shalt  }
0x4f: {  	_ =	shalt  }
0x50: {  	_ =	shalt  }
0x51: {  	_ =	shalt  }
0x52: {  	_ =	shalt  }
0x53: {  	_ =	shalt  }
0x54: {  	_ =	shalt  }
0x55: {  	_ =	shalt  }
0x56: {  	_ =	shalt  }
0x57: {  	_ =	shalt  }
0x58: {  	_ =	shalt  }
0x59: {  	_ =	shalt  }
0x5a: {  	_ =	shalt  }
0x5b: {  	_ =	shalt  }
0x5c: {  	_ =	shalt  }
0x5d: {  	_ =	shalt  }
0x5e: {  	_ =	shalt  }
0x5f: {  	_ =	shalt  }
0x60: {  	_ =	shalt  }
0x61: {  	_ =	shalt  }
0x62: {  	_ =	shalt  }
0x63: {  	_ =	shalt  }
0x64: {  	_ =	shalt  }
0x65: {  	_ =	shalt  }
0x66: {  	_ =	shalt  }
0x67: {  	_ =	shalt  }
0x68: {  	_ =	shalt  }
0x69: {  	_ =	shalt  }
0x6a: {  	_ =	shalt  }
0x6b: {  	_ =	shalt  }
0x6c: {  	_ =	shalt  }
0x6d: {  	_ =	shalt  }
0x6e: {  	_ =	shalt  }
0x6f: {  	_ =	shalt  }
0x70: {  	_ =	shalt  }
0x71: {  	_ =	shalt  }
0x72: {  	_ =	shalt  }
0x73: {  	_ =	shalt  }
0x74: {  	_ =	shalt  }
0x75: {  	_ =	shalt  }
0x76: {  	_ =	shalt  }
0x77: {  	_ =	shalt  }
0x78: {  	_ =	shalt  }
0x79: {  	_ =	shalt  }
0x7a: {  	_ =	shalt  }
0x7b: {  	_ =	shalt  }
0x7c: {  	_ =	shalt  }
0x7d: {  	_ =	shalt  }
0x7e: {  	_ =	shalt  }
0x7f: {  	_ =	shalt  }
0x80: {  	_ =	shalt  }
0x81: {  	_ =	shalt  }
0x82: {  	_ =	shalt  }
0x83: {  	_ =	shalt  }
0x84: {  	_ =	shalt  }
0x85: {  	_ =	shalt  }
0x86: {  	_ =	shalt  }
0x87: {  	_ =	shalt  }
.Lfunc_end0:
.L_simem_size_0:
called_computation.2_lowered:
.L_overlay_start_0:
0x88: {  	s2 =	sld [smem:$0x3FD9]  }
0x89: {  	s3 =	sld [smem:$0x3FFE];
	_ =	sdelay $0x1  }
0x8a: {  	s1 =	srdreg.scid  }
0x8b: {  	s0 =	sand.u32 $0x1, s1  }
0x8c: {  	s16 =	sshll.u32 s0, $0xA;
	s2 =	sadd.s32 s3, s2  }
0x8d: {  	s2 =	sadd.s32 s2, s16  }
0x8e: {  	[smem:$0x3FB9] =	sst s2  }
0x8f: {  	_ = 	snop  }
0x90: {  	(tm) =	ssettm $0x1  }
0x91: {  	s17 =	sld [smem:$0x3FFB];
	_ =	sdelay $0x3  }
0x92: {  	_ =	strace s17  }
0x93: {  	s2 =	sld [smem:$0x3FFC];
	_ =	sdelay $0x3  }
0x94: {  	_ =	strace s2  }
0x95: {  	s2 =	sld [smem:$0x3FFD];
	_ =	sdelay $0x3  }
0x96: {  	_ =	strace s2  }
0x97: {  	_ =	strace $0x8FFFFFFF  }
0x98: {  	s18 =	sld [smem:$0x3FDB];
	_ =	sdelay $0x1  }
0x99: {  	s19 =	simm.s32 $_scs_section_size  }
0x9a: {  	s4 =	simm.s32 $_size__tile_overlayer_lowered;
	s5 =	simm.s32 $_tile_overlayer_lowered  }
0x9b: {  	s22 =	simm.s32 $0x1BFF;
	s21 =	sshll.u32 s5, $0x1;
	s2 =	sadd.s32 s19, s18  }
0x9c: {  	s6 =	simm.s32 $0x0;
	s20 =	sshll.u32 s4, $0x1;
	s4 =	sadd.s32 s21, s2  }
0x9d: {  	[timem:s6], [sflag:s22] =	dma.local [hbm:s4], s20  }
0x9e: {  	_ =	swait.ge [sflag:s22], s20  }
0x9f: {  	s3 =	ssub.s32 $0x0, s20;
	[sflag:s22] =	ssyncset.done $0x0  }
0xa0: {  	[sflag:s22] =	ssyncadd.s32 s3;
	_ =	sdelay $0x1  }
0xa1: {  	s23 =	simm.s32 $0x1B8B  }
0xa2: {  	_ =	swait.ge [sflag:s23], $0x1  }
0xa3: {  	[sflag:s23] =	ssyncset.done $0x0  }
0xa4: {  	s25 =	simm.s32 $0x1B8E;
	s24 =	sld [smem:$0x3FFE];
	[sflag:s23] =	ssyncadd.s32 $0xFFFFFFFF  }
0xa5: {  	s26 =	simm.s32 $execute0_lowered;
	[smem:$0x3FD2] =	sst s25  }
0xa6: {  	s4 =	sshll.u32 s26, $0x1;
	_ =	strace $0x8000004C;
	[dreg:$0x1] =	wrdreg $0xFFFFFFFF  }
0xa7: {  	s28 =	simm.s32 $_size_execute0_lowered;
	s2 =	sadd.s32 s2, s4;
	[dreg:$0x0] =	wrdreg $0x0  }
0xa8: {  	s4 =	sshll.u32 s28, $0x1;
	[dreg:$0x2] =	wrdreg s2  }
0xa9: {  	[dreg:$0x3] =	wrdreg s4  }
0xaa: {  	[dreg:$0x4] =	wrdreg $0xC0  }
0xab: {  	_ =	task [dreg:s6], $0x5FFFF  }
0xac: {  	[dreg:$0x1] =	wrdreg $0xFFFFFFFF  }
0xad: {  	[dreg:$0x0] =	wrdreg $0x60  }
0xae: {  	[dreg:$0x2] =	wrdreg s24  }
0xaf: {  	[dreg:$0x3] =	wrdreg $0x41000  }
0xb0: {  	[dreg:$0x4] =	wrdreg $0x9  }
0xb1: {  	_ =	task.clear_ibuf [dreg:s6], $0x5FFFF;
	_ =	strace $0x9000004C  }
0xb2: {  	s29 =	simm.s32 $0x9;
	_ =	strace $0x8000004E  }
0xb3: {  	_ =	swait.ge [sflag:s29], $0x1  }
0xb4: {  	[sflag:s29] =	ssyncadd.s32 $0xFFFFFFFF  }
0xb5: {  	_ =	strace $0x9000004E  }
0xb6: {  	_ =	sfence  }
0xb7: {  	s30 =	sld [smem:$0x0];
	_ =	sdelay $0x2  }
0xb8: {  	s31 =	sshll.u32 s1, $0xD;
	s1 =	sshrl.u32 s1, $0x2  }
0xb9: {  	s3 =	sand.u32 $0x4000, s31;
	s1 =	sadd.s32 s1, s30  }
0xba: {  	s0 =	sor.u32 s3, s0;
	s1 =	sshll.u32 s1, $0x11  }
0xbb: {  	s0 =	sor.u32 s1, s0  }
0xbc: {  	s0 =	sadd.s32 $0x8F2B, s0  }
0xbd: {  	[sflag:s0] =	ssyncadd.remote.s32 $0x1  }
0xbe: {  	_ =	sfence.sel $0xFFFF  }
0xbf: {  	[dreg:$0x0] =	wrdreg $0xFFFFFFFF;
	(pc) =	sbr.abs _section_cstart, $3  }
0xc0: {  	[dreg:$0x1] =	wrdreg $0xFFFFFFFF  }
0xc1: {  	_ =	task.clear_ibuf [dreg:s6], $0x2FFFF;
	_ =	strace $0x9FFFFFFF  }
0xc2: {  	(tm) =	ssettm $0x7FFFFFFF  }
0xc3: {  	_ =	shalt  }
tec
execute0_lowered:
.L_overlay_start_1:
0x0: {  	(tag) =	ssettag $0x1  }
0x1: {  	s5 =	rddreg [dreg:$0x0]  }
0x2: {  	s0 =	srdreg.scid;
	s2 =	rddreg [dreg:$0x1]  }
0x3: {  	s1 =	rddreg [dreg:$0x2];
	s3 =	simm.s32 $0x0;
	s6 =	sand.u32 $0x1, s0  }
0x4: {  	s12 =	simm.s32 $0x2;
	s0 =	stileid.u32;
	s7 =	smul.u32 $0x27800, s6  }
0x5: {  	s13 =	simm.s32 $0x80;
	s14 =	simm.s32 $0x100;
	s8 =	smul.u32 $0x2780, s0  }
0x6: {  	s15 =	simm.s32 $0x1;
	s16 =	simm.s32 $0x0;
	s9 =	smul.u32 $0x2780, s6  }
0x7: {  	[smem:$0x7FF] =	sst s3;
	s4 =	sadd.s32 $0x15C00, s5;
	s10 =	smul.u32 $0x278, s0  }
0x8: {  	_ =	strace $0x8000004D;
	s24 =	smul.u32 $0x4F000, s0;
	s6 =	ssub.s32 $0x2, s6  }
0x9: {  	s31 =	sshll.u32 s0, $0x6;
	s28 =	sshrl.u32 s6, $0x1;
	s7 =	sadd.s32 s8, s7  }
0xa: {  	s23 =	sadd.s32 s10, s9;
	s29 =	sshrl.u32 s24, $0x2;
	s30 =	ssub.s32 s6, s28  }
0xb: {  	s6 =	sor.u32 $0x1C02, s31;
	s7 =	sshrl.u32 s7, $0x3;
	s26 =	sshll.u32 s23, $0x4  }
0xc: {  	s11 =	sadd.s32 s29, s2;
	s25 =	sadd.s32 s7, s5;
	s7 =	sadd.s32 s26, s5  }
0xd: {  	s8 =	smax.u32 s30, $0x1;
	s11 =	sshrl.u32 s11, $0x3;
	s5 =	sadd.s32 $0x12A000, s7  }
0xe: {  	s7 =	sadd.s32 $0x3D400, s7;
	s9 =	sadd.s32 $0x2000, s25;
	s10 =	sadd.s32 $0xBE00, s25  }
.LBB2_1:
0xf: {  	[spmem:s11], [sflag:s6] =	dma.local [hbm:s5], $0x2780  }
0x10: {  	_ =	swait.ge [sflag:s12], $0x2780  }
0x11: {  	[sflag:s12] =	ssyncset.done $0x0  }
0x12: {  	[sflag:s12] =	ssyncadd.s32 $0xFFFFD880  }
0x13: {  	s17 =	sadd.s32 $0x0, s10;
	[bflag:$0x0] =	sbarrier.arrive $0xFFFF  }
0x14: {  	[tilespmem:s3], [sflag:$0x2] =	stream.linear.gather [hbm4b:s17+s3], $0x80, $0x38;
	[tilespmem:$0x17D00] =	vst v63  }
0x15: {  	_ =	swait.ge [sflag:s12], $0x80  }
0x16: {  	[sflag:s12] =	ssyncset.done $0x0  }
0x17: {  	s31 =	sadd.s32 $0x0, s9;
	[sflag:s12] =	ssyncadd.s32 $0xFFFFFF80  }
0x18: {  	[tilespmem:s13], [sflag:$0x2] =	stream.linear.gather [hbm4b:s31+s3], $0x80, $0x38;
	[tilespmem:$0x17D00] =	vst v63  }
0x19: {  	_ =	swait.ge [sflag:s12], $0x80  }
0x1a: {  	[sflag:s12] =	ssyncset.done $0x0  }
0x1b: {  	[sflag:s12] =	ssyncadd.s32 $0xFFFFFF80  }
0x1c: {  	[tilespmem:s14], [sflag:$0x1] =	stream.indirect.gather [hbm4b:s4+s13], $0x80, s3, s13, $0xb8;
	[tilespmem:$0x17D00] =	vst v63  }
0x1d: {  	_ =	swait.ge [sflag:s15], $0x4000  }
0x1e: {  	[sflag:s15] =	ssyncset.done $0x0  }
0x1f: {  	[sflag:s15] =	ssyncadd.s32 $0xFFFFC000  }
0x20: {  	[spmem:s2] =	stream.indirect.scatter.add.f32 [tilespmem:s14], [sflag:$0x2], $0x80, s13, s13, $0xb8;
	[tilespmem:$0x17D00] =	vst v63  }
0x21: {  	_ =	swait.ge [sflag:s12], $0x4000  }
0x22: {  	s18 =	simm.s32 $0x20;
	s17 =	simm.s32 $0x10;
	[sflag:s12] =	ssyncset.done $0x0  }
.LBB2_2:
0x23: {  	s19 =	sadd.s32 s17, s10  }
0x24: {  	[sflag:s12] =	ssyncadd.s32 $0xFFFFC000;
	s20 =	smov.u32 s18;
	s21 =	sadd.s32 $0x10, s18  }
0x25: {  	[tilespmem:s3], [sflag:$0x2] =	stream.linear.gather [hbm4b:s19+s3], $0x80, $0x38;
	[tilespmem:$0x17D00] =	vst v63  }
0x26: {  	p0 =	sne.s32 s18, $0x4E0;
	_ =	swait.ge [sflag:s12], $0x80  }
0x27: {  	[sflag:s12] =	ssyncset.done $0x0  }
0x28: {  	s18 =	sadd.s32 s17, s9;
	s17 =	smov.u32 s20;
	[sflag:s12] =	ssyncadd.s32 $0xFFFFFF80  }
0x29: {  	[tilespmem:s13], [sflag:$0x2] =	stream.linear.gather [hbm4b:s18+s3], $0x80, $0x38;
	[tilespmem:$0x17D00] =	vst v63  }
0x2a: {  	_ =	swait.ge [sflag:s12], $0x80  }
0x2b: {  	[sflag:s12] =	ssyncset.done $0x0  }
0x2c: {  	[sflag:s12] =	ssyncadd.s32 $0xFFFFFF80  }
0x2d: {  	[tilespmem:s14], [sflag:$0x1] =	stream.indirect.gather [hbm4b:s4+s13], $0x80, s3, s13, $0xb8;
	[tilespmem:$0x17D00] =	vst v63  }
0x2e: {  	_ =	swait.ge [sflag:s15], $0x4000  }
.Ltmp0:
0x2f: {  	[sflag:s15] =	ssyncset.done $0x0;
	(pc) =	sbr.rel @p0 .LBB2_2-.Ltmp0, $4  }
0x30: {  	[sflag:s15] =	ssyncadd.s32 $0xFFFFC000  }
0x31: {  	[spmem:s2] =	stream.indirect.scatter.add.f32 [tilespmem:s14], [sflag:$0x2], $0x80, s13, s13, $0xb8;
	[tilespmem:$0x17D00] =	vst v63  }
0x32: {  	_ =	swait.ge [sflag:s12], $0x4000  }
0x33: {  	s18 =	smov.u32 s21;
	[sflag:s12] =	ssyncset.done $0x0  }
0x34: {  	s18 =	sadd.s32 s17, s10;
	[sflag:s12] =	ssyncadd.s32 $0xFFFFC000  }
0x35: {  	[tilespmem:s3], [sflag:$0x2] =	stream.linear.gather [hbm4b:s18+s3], $0x80, $0x38;
	[tilespmem:$0x17D00] =	vst v63  }
0x36: {  	_ =	swait.ge [sflag:s12], $0x80  }
0x37: {  	[sflag:s12] =	ssyncset.done $0x0  }
0x38: {  	s31 =	sadd.s32 s17, s9;
	[sflag:s12] =	ssyncadd.s32 $0xFFFFFF80  }
0x39: {  	[tilespmem:s13], [sflag:$0x2] =	stream.linear.gather [hbm4b:s31+s3], $0x80, $0x38;
	[tilespmem:$0x17D00] =	vst v63  }
0x3a: {  	_ =	swait.ge [sflag:s12], $0x80  }
0x3b: {  	[sflag:s12] =	ssyncset.done $0x0  }
0x3c: {  	[sflag:s12] =	ssyncadd.s32 $0xFFFFFF80  }
0x3d: {  	[tilespmem:s14], [sflag:$0x1] =	stream.indirect.gather [hbm4b:s4+s13], $0x80, s3, s13, $0xb8;
	[tilespmem:$0x17D00] =	vst v63  }
0x3e: {  	_ =	swait.ge [sflag:s15], $0x4000  }
0x3f: {  	[sflag:s15] =	ssyncset.done $0x0  }
0x40: {  	[sflag:s15] =	ssyncadd.s32 $0xFFFFC000  }
0x41: {  	[spmem:s2] =	stream.indirect.scatter.add.f32 [tilespmem:s14], [sflag:$0x2], $0x80, s13, s13, $0xb8;
	[tilespmem:$0x17D00] =	vst v63  }
0x42: {  	_ =	swait.ge [sflag:s12], $0x4000  }
0x43: {  	s16 =	sadd.s32 $0x1, s16;
	[sflag:s12] =	ssyncset.done $0x0  }
0x44: {  	p0 =	sne.s32 s16, s8;
	[sflag:s12] =	ssyncadd.s32 $0xFFFFC000  }
.Ltmp1:
0x45: {  	[bflag:$0x0] =	sbarrier.arrive $0xFFFF;
	(pc) =	sbr.rel @p0 .LBB2_1-.Ltmp1, $4  }
0x46: {  	[hbm:s7], [sflag:s6] =	dma.local [spmem:s11], $0x2780  }
0x47: {  	_ =	swait.ge [sflag:s12], $0x2780  }
0x48: {  	[sflag:s12] =	ssyncset.done $0x0  }
0x49: {  	[sflag:s12] =	ssyncadd.s32 $0xFFFFD880  }
0x4a: {  	_ =	sfence.sel $0x180000  }
0x4b: {  	[bflag:$0x0] =	sbarrier.arrive $0xFFFF  }
0x4c: {  	p0 =	sne.s32 s0, $0x0;
	_ =	strace $0x9000004D  }
0x4d: {  	s0 =	sadd.s32 @!p0 $0x100000, s1;
	[bflag:$0x2] =	sbarrier.arrive $0xFFFF  }
0x4e: {  	[sflag:s0] =	ssyncadd.tile.s32 @!p0 $0x1;
	_ =	shalt  }
.Lfunc_end2:
_tile_overlayer_lowered:
.L_overlay_start_2:
0x4f: {  	(tag) =	ssettag $0x2  }
0x50: {  	s0 =	rddreg [dreg:$0x0];
	s2 =	stileid.u32  }
0x51: {  	s1 =	rddreg [dreg:$0x1];
	p0 =	sne.s32 s2, $0x0  }
0x52: {  	s3 =	rddreg [dreg:$0x2];
	[bflag:$0x3] =	sbarrier.arrive $0xFFFF;
	s2 =	simm.s32 @!p0 $0x1C02  }
0x53: {  	[timem:s3], [sflag:s2] =	dma.local @!p0 [hbm:s0], s1  }
0x54: {  	s0 =	simm.s32 @!p0 $0x2  }
0x55: {  	_ =	swait.ge @!p0 [sflag:s0], s1  }
0x56: {  	s1 =	ssub.s32 @!p0 $0x0, s1;
	[sflag:s0] =	ssyncset.done @!p0 $0x0  }
0x57: {  	[sflag:s0] =	ssyncadd.s32 @!p0 s1  }
0x58: {  	[bflag:$0x3] =	sbarrier.arrive $0xFFFF  }
0x59: {  	_ =	shalt  }

// kernel: kernel.18.cloned.1.call-start
scs
__scs_entry_jumppad:
0x0: {  	(pc) =	sbr.rel $0x88, $3  }
0x1: {  	(tag) =	ssettag $0x0;
	lr =	simm.s32 $0x1  }
0x2: {  	[smem:$0x3F92] =	sst lr;
	_ =	strace $0xD0000000  }
0x3: {  	_ = 	snop  }
0x4: {  	_ = 	snop  }
0x5: {  	_ = 	snop  }
0x6: {  	_ = 	snop  }
0x7: {  	_ = 	snop  }
__scs_overlays_trampoline_lowered:
0x8: {  	[smem:$0x3FA1] =	sst s0  }
0x9: {  	[smem:$0x3FA2] =	sst s1  }
0xa: {  	[smem:$0x3FA3] =	sst s2  }
0xb: {  	[smem:$0x3FA4] =	sst s3  }
0xc: {  	[smem:$0x3FA5] =	sst s4  }
0xd: {  	[smem:$0x3FA6] =	sst s5  }
0xe: {  	[smem:$0x3FA7] =	sst s6  }
0xf: {  	[smem:$0x3FA8] =	sst s7  }
0x10: {  	[smem:$0x3FA9] =	sst s8  }
0x11: {  	[smem:$0x3FAA] =	sst s9;
	s0 =	simm.s32 @!p0 $0x0  }
0x12: {  	s1 =	sld [smem:$0x3F90];
	s0 =	simm.s32 @p0 $0x1  }
0x13: {  	[smem:$0x3FAB] =	sst s0;
	s0 =	simm.s32 @!p1 $0x0  }
0x14: {  	s2 =	sld [smem:$0x3F8F];
	s0 =	simm.s32 @p1 $0x1  }
0x15: {  	[smem:$0x3FAC] =	sst s0;
	s0 =	simm.s32 @!p2 $0x0  }
0x16: {  	s3 =	sld [smem:$0x3FDB];
	s0 =	simm.s32 @p2 $0x1  }
0x17: {  	s4 =	simm.s32 $0x1BF5;
	[smem:$0x3FAE] =	sst s0  }
0x18: {  	s0 =	sld [smem:$0x3F91];
	_ =	swait.ge [sflag:s4], $0x0  }
0x19: {  	s7 =	sld [smem:$0x3F92]  }
0x1a: {  	s8 =	sadd.s32 $0xFFFFE003, lr  }
0x1b: {  	s9 =	sadd.s32 $0xFFFFFEF7, lr;
	s5 =	simm.s32 $0xFFFFFFFF;
	p2 =	slt.u32 s8, $0xFFFFF086  }
0x1c: {  	p1 =	slt.u32 s9, $0xF7A;
	s5 =	simm.s32 @!p2 $0x0  }
0x1d: {  	s5 =	simm.s32 @p1 $0x1;
	p0 =	seq.s32 s7, s2  }
0x1e: {  	s7 =	smul.u32 @!p0 $0xF7A, s2;
	p2 =	seq.s32 @!p0 s5, $0x0  }
0x1f: {  	s9 =	smul.u32 $0xF7A, s1;
	s8 =	simm.s32 @!p0 $0x1BF5;
	p2 =	por !p2, p0  }
0x20: {  	[sflag:s8] =	ssyncset.s32 @!p0 $0xFFFFF086;
	s6 =	sadd.s32 @!p0 s3, s7;
	s7 =	simm.s32 @!p0 $0x108  }
0x21: {  	s3 =	sadd.s32 s3, s9;
	s6 =	sadd.s32 @!p0 $0x88, s6;
	s7 =	simm.s32 @p2 $0x1082  }
0x22: {  	[simem:s7], [sflag:s8] =	dma.local @!p0 [hbm:s6], $0xF7A  }
0x23: {  	s9 =	sor.u32 $0xD0000000, s2;
	s6 =	simm.s32 $0x108;
	_ =	swait.ge @!p0 [sflag:s8], $0x0  }
0x24: {  	s3 =	sadd.s32 $0x88, s3;
	s6 =	simm.s32 @!p1 $0x1082;
	[sflag:s4] =	ssyncset.s32 $0xFFFFF086  }
0x25: {  	[simem:s6], [sflag:s4] =	dma.local [hbm:s3], $0xF7A  }
0x26: {  	[smem:$0x3F92] =	sst s1;
	(tag) =	ssettag s2;
	_ =	strace s9  }
0x27: {  	s1 =	sld [smem:$0x3FA2]  }
0x28: {  	s2 =	sld [smem:$0x3FA3]  }
0x29: {  	s4 =	sld [smem:$0x3FA5]  }
0x2a: {  	p0 =	seq.s32 s5, $0x0;
	s5 =	sld [smem:$0x3FA6]  }
0x2b: {  	s6 =	sld [smem:$0x3FA7]  }
0x2c: {  	s7 =	sld [smem:$0x3FA8]  }
0x2d: {  	s3 =	simm.s32 $0x108;
	s8 =	sld [smem:$0x3FA9]  }
0x2e: {  	s3 =	simm.s32 @!p0 $0x1082;
	s9 =	sld [smem:$0x3FAA]  }
0x2f: {  	lr =	sadd.s32 s0, s3;
	s0 =	sld [smem:$0x3FA1]  }
0x30: {  	s3 =	sld [smem:$0x3FA4]  }
0x31: {  	[smem:$0x3FAD] =	sst s10  }
0x32: {  	s10 =	sld [smem:$0x3FAB];
	_ =	sdelay $0x3  }
0x33: {  	p0 =	seq.s32 s10, $0x1;
	s10 =	sld [smem:$0x3FAD];
	_ =	sdelay $0x3  }
0x34: {  	[smem:$0x3FAD] =	sst s10  }
0x35: {  	s10 =	sld [smem:$0x3FAC];
	_ =	sdelay $0x3  }
0x36: {  	p1 =	seq.s32 s10, $0x1;
	s10 =	sld [smem:$0x3FAD];
	_ =	sdelay $0x3  }
0x37: {  	[smem:$0x3FAD] =	sst s10  }
0x38: {  	s10 =	sld [smem:$0x3FAE]  }
0x39: {  	_ = 	snop;
	(pc) =	sbr.ind lr, $3  }
0x3a: {  	_ = 	snop  }
0x3b: {  	_ = 	snop  }
0x3c: {  	p2 =	seq.s32 s10, $0x1;
	s10 =	sld [smem:$0x3FAD]  }
0x3d: {  	_ =	shalt  }
0x3e: {  	_ =	shalt  }
0x3f: {  	_ =	shalt  }
0x40: {  	_ =	shalt  }
0x41: {  	_ =	shalt  }
0x42: {  	_ =	shalt  }
0x43: {  	_ =	shalt  }
0x44: {  	_ =	shalt  }
0x45: {  	_ =	shalt  }
0x46: {  	_ =	shalt  }
0x47: {  	_ =	shalt  }
0x48: {  	_ =	shalt  }
0x49: {  	_ =	shalt  }
0x4a: {  	_ =	shalt  }
0x4b: {  	_ =	shalt  }
0x4c: {  	_ =	shalt  }
0x4d: {  	_ =	shalt  }
0x4e: {  	_ =	shalt  }
0x4f: {  	_ =	shalt  }
0x50: {  	_ =	shalt  }
0x51: {  	_ =	shalt  }
0x52: {  	_ =	shalt  }
0x53: {  	_ =	shalt  }
0x54: {  	_ =	shalt  }
0x55: {  	_ =	shalt  }
0x56: {  	_ =	shalt  }
0x57: {  	_ =	shalt  }
0x58: {  	_ =	shalt  }
0x59: {  	_ =	shalt  }
0x5a: {  	_ =	shalt  }
0x5b: {  	_ =	shalt  }
0x5c: {  	_ =	shalt  }
0x5d: {  	_ =	shalt  }
0x5e: {  	_ =	shalt  }
0x5f: {  	_ =	shalt  }
0x60: {  	_ =	shalt  }
0x61: {  	_ =	shalt  }
0x62: {  	_ =	shalt  }
0x63: {  	_ =	shalt  }
0x64: {  	_ =	shalt  }
0x65: {  	_ =	shalt  }
0x66: {  	_ =	shalt  }
0x67: {  	_ =	shalt  }
0x68: {  	_ =	shalt  }
0x69: {  	_ =	shalt  }
0x6a: {  	_ =	shalt  }
0x6b: {  	_ =	shalt  }
0x6c: {  	_ =	shalt  }
0x6d: {  	_ =	shalt  }
0x6e: {  	_ =	shalt  }
0x6f: {  	_ =	shalt  }
0x70: {  	_ =	shalt  }
0x71: {  	_ =	shalt  }
0x72: {  	_ =	shalt  }
0x73: {  	_ =	shalt  }
0x74: {  	_ =	shalt  }
0x75: {  	_ =	shalt  }
0x76: {  	_ =	shalt  }
0x77: {  	_ =	shalt  }
0x78: {  	_ =	shalt  }
0x79: {  	_ =	shalt  }
0x7a: {  	_ =	shalt  }
0x7b: {  	_ =	shalt  }
0x7c: {  	_ =	shalt  }
0x7d: {  	_ =	shalt  }
0x7e: {  	_ =	shalt  }
0x7f: {  	_ =	shalt  }
0x80: {  	_ =	shalt  }
0x81: {  	_ =	shalt  }
0x82: {  	_ =	shalt  }
0x83: {  	_ =	shalt  }
0x84: {  	_ =	shalt  }
0x85: {  	_ =	shalt  }
0x86: {  	_ =	shalt  }
0x87: {  	_ =	shalt  }
.Lfunc_end0:
.L_simem_size_0:
called_computation.3_lowered:
.L_overlay_start_0:
0x88: {  	s2 =	sld [smem:$0x3FD9]  }
0x89: {  	s3 =	sld [smem:$0x3FFE];
	_ =	sdelay $0x1  }
0x8a: {  	s1 =	srdreg.scid  }
0x8b: {  	s0 =	sand.u32 $0x1, s1  }
0x8c: {  	s16 =	sshll.u32 s0, $0xA;
	s2 =	sadd.s32 s3, s2  }
0x8d: {  	s2 =	sadd.s32 s2, s16  }
0x8e: {  	[smem:$0x3FB9] =	sst s2  }
0x8f: {  	_ = 	snop  }
0x90: {  	(tm) =	ssettm $0x1  }
0x91: {  	s17 =	sld [smem:$0x3FFB];
	_ =	sdelay $0x3  }
0x92: {  	_ =	strace s17  }
0x93: {  	s2 =	sld [smem:$0x3FFC];
	_ =	sdelay $0x3  }
0x94: {  	_ =	strace s2  }
0x95: {  	s2 =	sld [smem:$0x3FFD];
	_ =	sdelay $0x3  }
0x96: {  	_ =	strace s2  }
0x97: {  	_ =	strace $0x8FFFFFFF  }
0x98: {  	s18 =	sld [smem:$0x3FDB];
	_ =	sdelay $0x1  }
0x99: {  	s19 =	simm.s32 $_scs_section_size  }
0x9a: {  	s4 =	simm.s32 $_size__tile_overlayer_lowered;
	s5 =	simm.s32 $_tile_overlayer_lowered  }
0x9b: {  	s22 =	simm.s32 $0x1BFF;
	s21 =	sshll.u32 s5, $0x1;
	s2 =	sadd.s32 s19, s18  }
0x9c: {  	s6 =	simm.s32 $0x0;
	s20 =	sshll.u32 s4, $0x1;
	s4 =	sadd.s32 s21, s2  }
0x9d: {  	[timem:s6], [sflag:s22] =	dma.local [hbm:s4], s20  }
0x9e: {  	_ =	swait.ge [sflag:s22], s20  }
0x9f: {  	s3 =	ssub.s32 $0x0, s20;
	[sflag:s22] =	ssyncset.done $0x0  }
0xa0: {  	[sflag:s22] =	ssyncadd.s32 s3;
	_ =	sdelay $0x1  }
0xa1: {  	s23 =	simm.s32 $0x1B8B  }
0xa2: {  	_ =	swait.ge [sflag:s23], $0x1  }
0xa3: {  	[sflag:s23] =	ssyncset.done $0x0  }
0xa4: {  	s25 =	simm.s32 $0x1B8E;
	s24 =	sld [smem:$0x3FFE];
	[sflag:s23] =	ssyncadd.s32 $0xFFFFFFFF  }
0xa5: {  	s26 =	simm.s32 $execute0_lowered;
	[smem:$0x3FD2] =	sst s25  }
0xa6: {  	s4 =	sshll.u32 s26, $0x1;
	_ =	strace $0x8000004F;
	[dreg:$0x1] =	wrdreg $0xFFFFFFFF  }
0xa7: {  	s28 =	simm.s32 $_size_execute0_lowered;
	s2 =	sadd.s32 s2, s4;
	[dreg:$0x0] =	wrdreg $0x0  }
0xa8: {  	s4 =	sshll.u32 s28, $0x1;
	[dreg:$0x2] =	wrdreg s2  }
0xa9: {  	[dreg:$0x3] =	wrdreg s4  }
0xaa: {  	[dreg:$0x4] =	wrdreg $0xC0  }
0xab: {  	_ =	task [dreg:s6], $0x5FFFF  }
0xac: {  	[dreg:$0x1] =	wrdreg $0xFFFFFFFF  }
0xad: {  	[dreg:$0x0] =	wrdreg $0x60  }
0xae: {  	[dreg:$0x2] =	wrdreg s24  }
0xaf: {  	[dreg:$0x3] =	wrdreg $0x9  }
0xb0: {  	_ =	task.clear_ibuf [dreg:s6], $0x4FFFF;
	_ =	strace $0x9000004F  }
0xb1: {  	s29 =	simm.s32 $0x9;
	_ =	strace $0x80000051  }
0xb2: {  	_ =	swait.ge [sflag:s29], $0x1  }
0xb3: {  	[sflag:s29] =	ssyncadd.s32 $0xFFFFFFFF  }
0xb4: {  	_ =	strace $0x90000051  }
0xb5: {  	_ =	sfence  }
0xb6: {  	s30 =	sld [smem:$0x0];
	_ =	sdelay $0x2  }
0xb7: {  	s31 =	sshll.u32 s1, $0xD;
	s1 =	sshrl.u32 s1, $0x2  }
0xb8: {  	s3 =	sand.u32 $0x4000, s31;
	s1 =	sadd.s32 s1, s30  }
0xb9: {  	s0 =	sor.u32 s3, s0;
	s1 =	sshll.u32 s1, $0x11  }
0xba: {  	s0 =	sor.u32 s1, s0  }
0xbb: {  	s0 =	sadd.s32 $0x8F2B, s0  }
0xbc: {  	[sflag:s0] =	ssyncadd.remote.s32 $0x1  }
0xbd: {  	_ =	sfence.sel $0xFFFF  }
0xbe: {  	[dreg:$0x0] =	wrdreg $0xFFFFFFFF;
	(pc) =	sbr.abs _section_cstart, $3  }
0xbf: {  	[dreg:$0x1] =	wrdreg $0xFFFFFFFF  }
0xc0: {  	_ =	task.clear_ibuf [dreg:s6], $0x2FFFF;
	_ =	strace $0x9FFFFFFF  }
0xc1: {  	(tm) =	ssettm $0x7FFFFFFF  }
tec
execute0_lowered:
.L_overlay_start_1:
0x0: {  	(tag) =	ssettag $0x1  }
0x1: {  	s4 =	rddreg [dreg:$0x0]  }
0x2: {  	s0 =	rddreg [dreg:$0x1];
	s2 =	simm.s32 $0x0;
	s1 =	stileid.u32  }
0x3: {  	s3 =	srdreg.scid;
	s10 =	simm.s32 $0x0;
	s6 =	smul.u32 $0x3200, s1  }
0x4: {  	[smem:$0x7FF] =	sst s2;
	s5 =	sand.u32 $0x1, s3;
	s8 =	smul.u32 $0x32000, s1  }
0x5: {  	s3 =	sadd.s32 $0x2000, s4;
	s7 =	smul.u32 $0x1900, s5;
	s9 =	ssub.s32 $0x2, s5  }
0x6: {  	_ =	strace $0x80000050;
	s5 =	smul.u32 $0x19000, s5;
	s31 =	sshrl.u32 s9, $0x1  }
0x7: {  	s8 =	sadd.s32 s8, s4;
	s6 =	sadd.s32 s7, s6;
	s7 =	ssub.s32 s9, s31  }
0x8: {  	s5 =	sadd.s32 s5, s8;
	s8 =	simm.s32 $0x80;
	s6 =	sshrl.u32 s6, $0x3  }
0x9: {  	s9 =	simm.s32 $0x1;
	s5 =	sadd.s32 $0x92800, s5;
	s6 =	sadd.s32 s6, s4  }
0xa: {  	s4 =	smax.u32 s7, $0x1;
	s7 =	simm.s32 $0x2;
	s6 =	sadd.s32 $0x8C400, s6  }
.LBB2_1:
0xb: {  	s11 =	sadd.s32 $0x0, s6  }
0xc: {  	[tilespmem:s2], [sflag:$0x2] =	stream.linear.gather [hbm4b:s11+s2], $0x80, $0x38;
	[tilespmem:$0x4080] =	vst v63  }
0xd: {  	_ =	swait.ge [sflag:s7], $0x80  }
0xe: {  	[sflag:s7] =	ssyncset.done $0x0  }
0xf: {  	[sflag:s7] =	ssyncadd.s32 $0xFFFFFF80  }
0x10: {  	[tilespmem:s8], [sflag:$0x1] =	stream.indirect.gather [hbm4b:s3+s8], $0x80, s2, s8, $0xb8;
	[tilespmem:$0x4080] =	vst v63  }
0x11: {  	_ =	swait.ge [sflag:s9], $0x4000  }
0x12: {  	[sflag:s9] =	ssyncset.done $0x0  }
0x13: {  	[sflag:s9] =	ssyncadd.s32 $0xFFFFC000  }
0x14: {  	[hbm4b:s5+s2] =	stream.linear.scatter [tilespmem:s8], [sflag:$0x2], $0x4000, $0x38;
	[tilespmem:$0x4080] =	vst v63  }
0x15: {  	s12 =	simm.s32 $0x10;
	_ =	swait.ge [sflag:s7], $0x4000  }
0x16: {  	s13 =	simm.s32 $0x20;
	s11 =	sadd.s32 $0x800, s5;
	[sflag:s7] =	ssyncset.done $0x0  }
.LBB2_2:
0x17: {  	s14 =	sadd.s32 s12, s6  }
0x18: {  	[sflag:s7] =	ssyncadd.s32 $0xFFFFC000;
	s12 =	smov.u32 s13;
	s15 =	sadd.s32 $0x10, s13  }
0x19: {  	[tilespmem:s2], [sflag:$0x2] =	stream.linear.gather [hbm4b:s14+s2], $0x80, $0x38;
	[tilespmem:$0x4080] =	vst v63  }
0x1a: {  	p0 =	sne.s32 s13, $0x310;
	_ =	swait.ge [sflag:s7], $0x80  }
0x1b: {  	[sflag:s7] =	ssyncset.done $0x0  }
0x1c: {  	[sflag:s7] =	ssyncadd.s32 $0xFFFFFF80  }
0x1d: {  	[tilespmem:s8], [sflag:$0x1] =	stream.indirect.gather [hbm4b:s3+s8], $0x80, s2, s8, $0xb8;
	[tilespmem:$0x4080] =	vst v63  }
0x1e: {  	_ =	swait.ge [sflag:s9], $0x4000  }
.Ltmp0:
0x1f: {  	[sflag:s9] =	ssyncset.done $0x0;
	(pc) =	sbr.rel @p0 .LBB2_2-.Ltmp0, $4  }
0x20: {  	[sflag:s9] =	ssyncadd.s32 $0xFFFFC000  }
0x21: {  	[hbm4b:s11+s2] =	stream.linear.scatter [tilespmem:s8], [sflag:$0x2], $0x4000, $0x38;
	[tilespmem:$0x4080] =	vst v63  }
0x22: {  	_ =	swait.ge [sflag:s7], $0x4000  }
0x23: {  	s13 =	smov.u32 s15;
	s11 =	sadd.s32 $0x800, s11;
	[sflag:s7] =	ssyncset.done $0x0  }
0x24: {  	s12 =	sadd.s32 s12, s6;
	[sflag:s7] =	ssyncadd.s32 $0xFFFFC000  }
0x25: {  	[tilespmem:s2], [sflag:$0x2] =	stream.linear.gather [hbm4b:s12+s2], $0x80, $0x38;
	[tilespmem:$0x4080] =	vst v63  }
0x26: {  	_ =	swait.ge [sflag:s7], $0x80  }
0x27: {  	[sflag:s7] =	ssyncset.done $0x0  }
0x28: {  	[sflag:s7] =	ssyncadd.s32 $0xFFFFFF80  }
0x29: {  	[tilespmem:s8], [sflag:$0x1] =	stream.indirect.gather [hbm4b:s3+s8], $0x80, s2, s8, $0xb8;
	[tilespmem:$0x4080] =	vst v63  }
0x2a: {  	s10 =	sadd.s32 $0x1, s10;
	_ =	swait.ge [sflag:s9], $0x4000  }
0x2b: {  	p0 =	sne.s32 s10, s4;
	[sflag:s9] =	ssyncset.done $0x0  }
.Ltmp1:
0x2c: {  	[sflag:s9] =	ssyncadd.s32 $0xFFFFC000;
	(pc) =	sbr.rel @p0 .LBB2_1-.Ltmp1, $4  }
0x2d: {  	[hbm4b:s11+s2] =	stream.linear.scatter [tilespmem:s8], [sflag:$0x2], $0x4000, $0x38;
	[tilespmem:$0x4080] =	vst v63  }
0x2e: {  	_ =	swait.ge [sflag:s7], $0x4000  }
0x2f: {  	[sflag:s7] =	ssyncset.done $0x0  }
0x30: {  	[sflag:s7] =	ssyncadd.s32 $0xFFFFC000  }
0x31: {  	_ =	sfence.sel $0x180000  }
0x32: {  	[bflag:$0x0] =	sbarrier.arrive $0xFFFF  }
0x33: {  	p0 =	sne.s32 s1, $0x0;
	_ =	strace $0x90000050  }
0x34: {  	s0 =	sadd.s32 @!p0 $0x100000, s0;
	[bflag:$0x2] =	sbarrier.arrive $0xFFFF  }
0x35: {  	[sflag:s0] =	ssyncadd.tile.s32 @!p0 $0x1;
	_ =	shalt  }
.Lfunc_end2:
_tile_overlayer_lowered:
.L_overlay_start_2:
0x36: {  	(tag) =	ssettag $0x2  }
0x37: {  	s0 =	rddreg [dreg:$0x0];
	s2 =	stileid.u32  }
0x38: {  	s1 =	rddreg [dreg:$0x1];
	p0 =	sne.s32 s2, $0x0  }
0x39: {  	s3 =	rddreg [dreg:$0x2];
	[bflag:$0x3] =	sbarrier.arrive $0xFFFF;
	s2 =	simm.s32 @!p0 $0x1C02  }
0x3a: {  	[timem:s3], [sflag:s2] =	dma.local @!p0 [hbm:s0], s1  }
0x3b: {  	s0 =	simm.s32 @!p0 $0x2  }
0x3c: {  	_ =	swait.ge @!p0 [sflag:s0], s1  }
0x3d: {  	s1 =	ssub.s32 @!p0 $0x0, s1;
	[sflag:s0] =	ssyncset.done @!p0 $0x0  }
0x3e: {  	[sflag:s0] =	ssyncadd.s32 @!p0 s1  }
0x3f: {  	[bflag:$0x3] =	sbarrier.arrive $0xFFFF  }
0x40: {  	_ =	shalt  }

// kernel: kernel.9.cloned.1.call-start
scs
__scs_entry_jumppad:
0x0: {  	(pc) =	sbr.rel $0x88, $3  }
0x1: {  	(tag) =	ssettag $0x0;
	lr =	simm.s32 $0x1  }
0x2: {  	[smem:$0x3F92] =	sst lr;
	_ =	strace $0xD0000000  }
0x3: {  	_ = 	snop  }
0x4: {  	_ = 	snop  }
0x5: {  	_ = 	snop  }
0x6: {  	_ = 	snop  }
0x7: {  	_ = 	snop  }
__scs_overlays_trampoline_lowered:
0x8: {  	[smem:$0x3FA1] =	sst s0  }
0x9: {  	[smem:$0x3FA2] =	sst s1  }
0xa: {  	[smem:$0x3FA3] =	sst s2  }
0xb: {  	[smem:$0x3FA4] =	sst s3  }
0xc: {  	[smem:$0x3FA5] =	sst s4  }
0xd: {  	[smem:$0x3FA6] =	sst s5  }
0xe: {  	[smem:$0x3FA7] =	sst s6  }
0xf: {  	[smem:$0x3FA8] =	sst s7  }
0x10: {  	[smem:$0x3FA9] =	sst s8  }
0x11: {  	[smem:$0x3FAA] =	sst s9;
	s0 =	simm.s32 @!p0 $0x0  }
0x12: {  	s1 =	sld [smem:$0x3F90];
	s0 =	simm.s32 @p0 $0x1  }
0x13: {  	[smem:$0x3FAB] =	sst s0;
	s0 =	simm.s32 @!p1 $0x0  }
0x14: {  	s2 =	sld [smem:$0x3F8F];
	s0 =	simm.s32 @p1 $0x1  }
0x15: {  	[smem:$0x3FAC] =	sst s0;
	s0 =	simm.s32 @!p2 $0x0  }
0x16: {  	s3 =	sld [smem:$0x3FDB];
	s0 =	simm.s32 @p2 $0x1  }
0x17: {  	s4 =	simm.s32 $0x1BF5;
	[smem:$0x3FAE] =	sst s0  }
0x18: {  	s0 =	sld [smem:$0x3F91];
	_ =	swait.ge [sflag:s4], $0x0  }
0x19: {  	s7 =	sld [smem:$0x3F92]  }
0x1a: {  	s8 =	sadd.s32 $0xFFFFE003, lr  }
0x1b: {  	s9 =	sadd.s32 $0xFFFFFEF7, lr;
	s5 =	simm.s32 $0xFFFFFFFF;
	p2 =	slt.u32 s8, $0xFFFFF086  }
0x1c: {  	p1 =	slt.u32 s9, $0xF7A;
	s5 =	simm.s32 @!p2 $0x0  }
0x1d: {  	s5 =	simm.s32 @p1 $0x1;
	p0 =	seq.s32 s7, s2  }
0x1e: {  	s7 =	smul.u32 @!p0 $0xF7A, s2;
	p2 =	seq.s32 @!p0 s5, $0x0  }
0x1f: {  	s9 =	smul.u32 $0xF7A, s1;
	s8 =	simm.s32 @!p0 $0x1BF5;
	p2 =	por !p2, p0  }
0x20: {  	[sflag:s8] =	ssyncset.s32 @!p0 $0xFFFFF086;
	s6 =	sadd.s32 @!p0 s3, s7;
	s7 =	simm.s32 @!p0 $0x108  }
0x21: {  	s3 =	sadd.s32 s3, s9;
	s6 =	sadd.s32 @!p0 $0x88, s6;
	s7 =	simm.s32 @p2 $0x1082  }
0x22: {  	[simem:s7], [sflag:s8] =	dma.local @!p0 [hbm:s6], $0xF7A  }
0x23: {  	s9 =	sor.u32 $0xD0000000, s2;
	s6 =	simm.s32 $0x108;
	_ =	swait.ge @!p0 [sflag:s8], $0x0  }
0x24: {  	s3 =	sadd.s32 $0x88, s3;
	s6 =	simm.s32 @!p1 $0x1082;
	[sflag:s4] =	ssyncset.s32 $0xFFFFF086  }
0x25: {  	[simem:s6], [sflag:s4] =	dma.local [hbm:s3], $0xF7A  }
0x26: {  	[smem:$0x3F92] =	sst s1;
	(tag) =	ssettag s2;
	_ =	strace s9  }
0x27: {  	s1 =	sld [smem:$0x3FA2]  }
0x28: {  	s2 =	sld [smem:$0x3FA3]  }
0x29: {  	s4 =	sld [smem:$0x3FA5]  }
0x2a: {  	p0 =	seq.s32 s5, $0x0;
	s5 =	sld [smem:$0x3FA6]  }
0x2b: {  	s6 =	sld [smem:$0x3FA7]  }
0x2c: {  	s7 =	sld [smem:$0x3FA8]  }
0x2d: {  	s3 =	simm.s32 $0x108;
	s8 =	sld [smem:$0x3FA9]  }
0x2e: {  	s3 =	simm.s32 @!p0 $0x1082;
	s9 =	sld [smem:$0x3FAA]  }
0x2f: {  	lr =	sadd.s32 s0, s3;
	s0 =	sld [smem:$0x3FA1]  }
0x30: {  	s3 =	sld [smem:$0x3FA4]  }
0x31: {  	[smem:$0x3FAD] =	sst s10  }
0x32: {  	s10 =	sld [smem:$0x3FAB];
	_ =	sdelay $0x3  }
0x33: {  	p0 =	seq.s32 s10, $0x1;
	s10 =	sld [smem:$0x3FAD];
	_ =	sdelay $0x3  }
0x34: {  	[smem:$0x3FAD] =	sst s10  }
0x35: {  	s10 =	sld [smem:$0x3FAC];
	_ =	sdelay $0x3  }
0x36: {  	p1 =	seq.s32 s10, $0x1;
	s10 =	sld [smem:$0x3FAD];
	_ =	sdelay $0x3  }
0x37: {  	[smem:$0x3FAD] =	sst s10  }
0x38: {  	s10 =	sld [smem:$0x3FAE]  }
0x39: {  	_ = 	snop;
	(pc) =	sbr.ind lr, $3  }
0x3a: {  	_ = 	snop  }
0x3b: {  	_ = 	snop  }
0x3c: {  	p2 =	seq.s32 s10, $0x1;
	s10 =	sld [smem:$0x3FAD]  }
0x3d: {  	_ =	shalt  }
0x3e: {  	_ =	shalt  }
0x3f: {  	_ =	shalt  }
0x40: {  	_ =	shalt  }
0x41: {  	_ =	shalt  }
0x42: {  	_ =	shalt  }
0x43: {  	_ =	shalt  }
0x44: {  	_ =	shalt  }
0x45: {  	_ =	shalt  }
0x46: {  	_ =	shalt  }
0x47: {  	_ =	shalt  }
0x48: {  	_ =	shalt  }
0x49: {  	_ =	shalt  }
0x4a: {  	_ =	shalt  }
0x4b: {  	_ =	shalt  }
0x4c: {  	_ =	shalt  }
0x4d: {  	_ =	shalt  }
0x4e: {  	_ =	shalt  }
0x4f: {  	_ =	shalt  }
0x50: {  	_ =	shalt  }
0x51: {  	_ =	shalt  }
0x52: {  	_ =	shalt  }
0x53: {  	_ =	shalt  }
0x54: {  	_ =	shalt  }
0x55: {  	_ =	shalt  }
0x56: {  	_ =	shalt  }
0x57: {  	_ =	shalt  }
0x58: {  	_ =	shalt  }
0x59: {  	_ =	shalt  }
0x5a: {  	_ =	shalt  }
0x5b: {  	_ =	shalt  }
0x5c: {  	_ =	shalt  }
0x5d: {  	_ =	shalt  }
0x5e: {  	_ =	shalt  }
0x5f: {  	_ =	shalt  }
0x60: {  	_ =	shalt  }
0x61: {  	_ =	shalt  }
0x62: {  	_ =	shalt  }
0x63: {  	_ =	shalt  }
0x64: {  	_ =	shalt  }
0x65: {  	_ =	shalt  }
0x66: {  	_ =	shalt  }
0x67: {  	_ =	shalt  }
0x68: {  	_ =	shalt  }
0x69: {  	_ =	shalt  }
0x6a: {  	_ =	shalt  }
0x6b: {  	_ =	shalt  }
0x6c: {  	_ =	shalt  }
0x6d: {  	_ =	shalt  }
0x6e: {  	_ =	shalt  }
0x6f: {  	_ =	shalt  }
0x70: {  	_ =	shalt  }
0x71: {  	_ =	shalt  }
0x72: {  	_ =	shalt  }
0x73: {  	_ =	shalt  }
0x74: {  	_ =	shalt  }
0x75: {  	_ =	shalt  }
0x76: {  	_ =	shalt  }
0x77: {  	_ =	shalt  }
0x78: {  	_ =	shalt  }
0x79: {  	_ =	shalt  }
0x7a: {  	_ =	shalt  }
0x7b: {  	_ =	shalt  }
0x7c: {  	_ =	shalt  }
0x7d: {  	_ =	shalt  }
0x7e: {  	_ =	shalt  }
0x7f: {  	_ =	shalt  }
0x80: {  	_ =	shalt  }
0x81: {  	_ =	shalt  }
0x82: {  	_ =	shalt  }
0x83: {  	_ =	shalt  }
0x84: {  	_ =	shalt  }
0x85: {  	_ =	shalt  }
0x86: {  	_ =	shalt  }
0x87: {  	_ =	shalt  }
.Lfunc_end0:
.L_simem_size_0:
called_computation_lowered:
.L_overlay_start_0:
0x88: {  	s2 =	sld [smem:$0x3FD9]  }
0x89: {  	s3 =	sld [smem:$0x3FFE];
	_ =	sdelay $0x1  }
0x8a: {  	s1 =	srdreg.scid  }
0x8b: {  	s0 =	sand.u32 $0x1, s1  }
0x8c: {  	s17 =	sshll.u32 s0, $0xA;
	s2 =	sadd.s32 s3, s2  }
0x8d: {  	s2 =	sadd.s32 s2, s17  }
0x8e: {  	[smem:$0x3FB9] =	sst s2  }
0x8f: {  	_ = 	snop  }
0x90: {  	s2 =	sld [smem:$0x3FC9];
	(tm) =	ssettm $0x1  }
0x91: {  	s18 =	sld [smem:$0x3FFB];
	_ =	sdelay $0x3  }
0x92: {  	_ =	strace s18  }
0x93: {  	s3 =	sld [smem:$0x3FFC];
	_ =	sdelay $0x3  }
0x94: {  	_ =	strace s3  }
0x95: {  	s3 =	sld [smem:$0x3FFD];
	_ =	sdelay $0x3  }
0x96: {  	_ =	strace s3  }
0x97: {  	_ =	strace $0x8FFFFFFF  }
0x98: {  	s19 =	sld [smem:$0x3FDB];
	_ =	sdelay $0x1  }
0x99: {  	s4 =	simm.s32 $_scs_section_size  }
0x9a: {  	s5 =	simm.s32 $_size__tile_overlayer_lowered;
	s6 =	simm.s32 $_tile_overlayer_lowered  }
0x9b: {  	s22 =	simm.s32 $0x1BFF;
	s21 =	sshll.u32 s6, $0x1;
	s3 =	sadd.s32 s4, s19  }
0x9c: {  	s7 =	simm.s32 $0x0;
	s20 =	sshll.u32 s5, $0x1;
	s5 =	sadd.s32 s21, s3  }
0x9d: {  	[timem:s7], [sflag:s22] =	dma.local [hbm:s5], s20  }
0x9e: {  	_ =	swait.ge [sflag:s22], s20  }
0x9f: {  	s4 =	ssub.s32 $0x0, s20;
	[sflag:s22] =	ssyncset.done $0x0  }
0xa0: {  	[sflag:s22] =	ssyncadd.s32 s4;
	_ =	sdelay $0x1  }
0xa1: {  	s23 =	simm.s32 $0x1B8B  }
0xa2: {  	_ =	swait.ge [sflag:s23], $0x1  }
0xa3: {  	[sflag:s23] =	ssyncset.done $0x0  }
0xa4: {  	s25 =	simm.s32 $0x1B8E;
	s24 =	sld [smem:$0x3FFE];
	[sflag:s23] =	ssyncadd.s32 $0xFFFFFFFF  }
0xa5: {  	s26 =	simm.s32 $execute0_lowered;
	[smem:$0x3FD2] =	sst s25  }
0xa6: {  	s5 =	sshll.u32 s26, $0x1;
	_ =	strace $0x80000046;
	[dreg:$0x1] =	wrdreg $0xFFFFFFFF  }
0xa7: {  	s28 =	simm.s32 $_size_execute0_lowered;
	s3 =	sadd.s32 s3, s5;
	[dreg:$0x0] =	wrdreg $0x0  }
0xa8: {  	s5 =	sshll.u32 s28, $0x1;
	[dreg:$0x2] =	wrdreg s3  }
0xa9: {  	[dreg:$0x3] =	wrdreg s5  }
0xaa: {  	[dreg:$0x4] =	wrdreg $0xC0  }
0xab: {  	_ =	task [dreg:s7], $0x5FFFF  }
0xac: {  	[dreg:$0x1] =	wrdreg $0xFFFFFFFF  }
0xad: {  	[dreg:$0x0] =	wrdreg $0x60  }
0xae: {  	[dreg:$0x2] =	wrdreg s2  }
0xaf: {  	[dreg:$0x3] =	wrdreg s24  }
0xb0: {  	[dreg:$0x4] =	wrdreg $0x41000  }
0xb1: {  	[dreg:$0x5] =	wrdreg $0x9  }
0xb2: {  	_ =	task.clear_ibuf [dreg:s7], $0x6FFFF;
	_ =	strace $0x90000046  }
0xb3: {  	s29 =	simm.s32 $0x9;
	_ =	strace $0x80000048  }
0xb4: {  	_ =	swait.ge [sflag:s29], $0x1  }
0xb5: {  	[sflag:s29] =	ssyncadd.s32 $0xFFFFFFFF  }
0xb6: {  	_ =	strace $0x90000048  }
0xb7: {  	_ =	sfence  }
0xb8: {  	s30 =	sld [smem:$0x0];
	_ =	sdelay $0x2  }
0xb9: {  	s31 =	sshll.u32 s1, $0xD;
	s1 =	sshrl.u32 s1, $0x2  }
0xba: {  	s3 =	sand.u32 $0x4000, s31;
	s1 =	sadd.s32 s1, s30  }
0xbb: {  	s0 =	sor.u32 s3, s0;
	s1 =	sshll.u32 s1, $0x11  }
0xbc: {  	s0 =	sor.u32 s1, s0  }
0xbd: {  	s0 =	sadd.s32 $0x8F2B, s0  }
0xbe: {  	[sflag:s0] =	ssyncadd.remote.s32 $0x1  }
0xbf: {  	_ =	sfence.sel $0xFFFF  }
0xc0: {  	[dreg:$0x0] =	wrdreg $0xFFFFFFFF;
	(pc) =	sbr.abs _section_cstart, $3  }
0xc1: {  	[dreg:$0x1] =	wrdreg $0xFFFFFFFF  }
0xc2: {  	_ =	task.clear_ibuf [dreg:s7], $0x2FFFF;
	_ =	strace $0x9FFFFFFF  }
0xc3: {  	(tm) =	ssettm $0x7FFFFFFF  }
tec
execute0_lowered:
.L_overlay_start_1:
0x0: {  	(tag) =	ssettag $0x1  }
0x1: {  	s1 =	rddreg [dreg:$0x0]  }
0x2: {  	s5 =	rddreg [dreg:$0x1]  }
0x3: {  	s0 =	srdreg.scid;
	s3 =	rddreg [dreg:$0x2]  }
0x4: {  	s2 =	rddreg [dreg:$0x3];
	s6 =	sand.u32 $0x1, s0  }
0x5: {  	s4 =	simm.s32 $0x0;
	s0 =	stileid.u32;
	s7 =	smul.u32 $0x27800, s6  }
0x6: {  	s12 =	simm.s32 $0x2;
	s13 =	simm.s32 $0x80;
	s8 =	smul.u32 $0x2780, s0  }
0x7: {  	s14 =	simm.s32 $0x100;
	s15 =	simm.s32 $0x1;
	s9 =	smul.u32 $0x2780, s6  }
0x8: {  	s16 =	simm.s32 $0x0;
	[smem:$0x7FF] =	sst s4;
	s10 =	smul.u32 $0x278, s0  }
0x9: {  	_ =	strace $0x80000047;
	s24 =	smul.u32 $0x4F000, s0;
	s6 =	ssub.s32 $0x2, s6  }
0xa: {  	s31 =	sshll.u32 s0, $0x6;
	s28 =	sshrl.u32 s6, $0x1;
	s7 =	sadd.s32 s8, s7  }
0xb: {  	s23 =	sadd.s32 s10, s9;
	s29 =	sshrl.u32 s24, $0x2;
	s30 =	ssub.s32 s6, s28  }
0xc: {  	s6 =	sor.u32 $0x1C02, s31;
	s7 =	sshrl.u32 s7, $0x3;
	s26 =	sshll.u32 s23, $0x4  }
0xd: {  	s11 =	sadd.s32 s29, s3;
	s25 =	sadd.s32 s7, s5;
	s7 =	sadd.s32 s26, s5  }
0xe: {  	s8 =	smax.u32 s30, $0x1;
	s11 =	sshrl.u32 s11, $0x3;
	s5 =	sadd.s32 $0x15C00, s7  }
0xf: {  	s7 =	sadd.s32 $0x64C00, s7;
	s9 =	sadd.s32 $0x2000, s25;
	s10 =	sadd.s32 $0xBE00, s25  }
.LBB2_1:
0x10: {  	[spmem:s11], [sflag:s6] =	dma.local [hbm:s5], $0x2780  }
0x11: {  	_ =	swait.ge [sflag:s12], $0x2780  }
0x12: {  	[sflag:s12] =	ssyncset.done $0x0  }
0x13: {  	[sflag:s12] =	ssyncadd.s32 $0xFFFFD880  }
0x14: {  	s17 =	sadd.s32 $0x0, s10;
	[bflag:$0x0] =	sbarrier.arrive $0xFFFF  }
0x15: {  	[tilespmem:s4], [sflag:$0x2] =	stream.linear.gather [hbm4b:s17+s4], $0x80, $0x38;
	[tilespmem:$0x17D00] =	vst v63  }
0x16: {  	_ =	swait.ge [sflag:s12], $0x80  }
0x17: {  	[sflag:s12] =	ssyncset.done $0x0  }
0x18: {  	s31 =	sadd.s32 $0x0, s9;
	[sflag:s12] =	ssyncadd.s32 $0xFFFFFF80  }
0x19: {  	[tilespmem:s13], [sflag:$0x2] =	stream.linear.gather [hbm4b:s31+s4], $0x80, $0x38;
	[tilespmem:$0x17D00] =	vst v63  }
0x1a: {  	_ =	swait.ge [sflag:s12], $0x80  }
0x1b: {  	[sflag:s12] =	ssyncset.done $0x0  }
0x1c: {  	[sflag:s12] =	ssyncadd.s32 $0xFFFFFF80  }
0x1d: {  	[tilespmem:s14], [sflag:$0x1] =	stream.indirect.gather [hbm4b:s1+s13], $0x80, s4, s13, $0xb8;
	[tilespmem:$0x17D00] =	vst v63  }
0x1e: {  	_ =	swait.ge [sflag:s15], $0x4000  }
0x1f: {  	[sflag:s15] =	ssyncset.done $0x0  }
0x20: {  	[sflag:s15] =	ssyncadd.s32 $0xFFFFC000  }
0x21: {  	[spmem:s3] =	stream.indirect.scatter.add.f32 [tilespmem:s14], [sflag:$0x2], $0x80, s13, s13, $0xb8;
	[tilespmem:$0x17D00] =	vst v63  }
0x22: {  	_ =	swait.ge [sflag:s12], $0x4000  }
0x23: {  	s18 =	simm.s32 $0x20;
	s17 =	simm.s32 $0x10;
	[sflag:s12] =	ssyncset.done $0x0  }
.LBB2_2:
0x24: {  	s19 =	sadd.s32 s17, s10  }
0x25: {  	[sflag:s12] =	ssyncadd.s32 $0xFFFFC000;
	s20 =	smov.u32 s18;
	s21 =	sadd.s32 $0x10, s18  }
0x26: {  	[tilespmem:s4], [sflag:$0x2] =	stream.linear.gather [hbm4b:s19+s4], $0x80, $0x38;
	[tilespmem:$0x17D00] =	vst v63  }
0x27: {  	p0 =	sne.s32 s18, $0x4E0;
	_ =	swait.ge [sflag:s12], $0x80  }
0x28: {  	[sflag:s12] =	ssyncset.done $0x0  }
0x29: {  	s18 =	sadd.s32 s17, s9;
	s17 =	smov.u32 s20;
	[sflag:s12] =	ssyncadd.s32 $0xFFFFFF80  }
0x2a: {  	[tilespmem:s13], [sflag:$0x2] =	stream.linear.gather [hbm4b:s18+s4], $0x80, $0x38;
	[tilespmem:$0x17D00] =	vst v63  }
0x2b: {  	_ =	swait.ge [sflag:s12], $0x80  }
0x2c: {  	[sflag:s12] =	ssyncset.done $0x0  }
0x2d: {  	[sflag:s12] =	ssyncadd.s32 $0xFFFFFF80  }
0x2e: {  	[tilespmem:s14], [sflag:$0x1] =	stream.indirect.gather [hbm4b:s1+s13], $0x80, s4, s13, $0xb8;
	[tilespmem:$0x17D00] =	vst v63  }
0x2f: {  	_ =	swait.ge [sflag:s15], $0x4000  }
.Ltmp0:
0x30: {  	[sflag:s15] =	ssyncset.done $0x0;
	(pc) =	sbr.rel @p0 .LBB2_2-.Ltmp0, $4  }
0x31: {  	[sflag:s15] =	ssyncadd.s32 $0xFFFFC000  }
0x32: {  	[spmem:s3] =	stream.indirect.scatter.add.f32 [tilespmem:s14], [sflag:$0x2], $0x80, s13, s13, $0xb8;
	[tilespmem:$0x17D00] =	vst v63  }
0x33: {  	_ =	swait.ge [sflag:s12], $0x4000  }
0x34: {  	s18 =	smov.u32 s21;
	[sflag:s12] =	ssyncset.done $0x0  }
0x35: {  	s18 =	sadd.s32 s17, s10;
	[sflag:s12] =	ssyncadd.s32 $0xFFFFC000  }
0x36: {  	[tilespmem:s4], [sflag:$0x2] =	stream.linear.gather [hbm4b:s18+s4], $0x80, $0x38;
	[tilespmem:$0x17D00] =	vst v63  }
0x37: {  	_ =	swait.ge [sflag:s12], $0x80  }
0x38: {  	[sflag:s12] =	ssyncset.done $0x0  }
0x39: {  	s31 =	sadd.s32 s17, s9;
	[sflag:s12] =	ssyncadd.s32 $0xFFFFFF80  }
0x3a: {  	[tilespmem:s13], [sflag:$0x2] =	stream.linear.gather [hbm4b:s31+s4], $0x80, $0x38;
	[tilespmem:$0x17D00] =	vst v63  }
0x3b: {  	_ =	swait.ge [sflag:s12], $0x80  }
0x3c: {  	[sflag:s12] =	ssyncset.done $0x0  }
0x3d: {  	[sflag:s12] =	ssyncadd.s32 $0xFFFFFF80  }
0x3e: {  	[tilespmem:s14], [sflag:$0x1] =	stream.indirect.gather [hbm4b:s1+s13], $0x80, s4, s13, $0xb8;
	[tilespmem:$0x17D00] =	vst v63  }
0x3f: {  	_ =	swait.ge [sflag:s15], $0x4000  }
0x40: {  	[sflag:s15] =	ssyncset.done $0x0  }
0x41: {  	[sflag:s15] =	ssyncadd.s32 $0xFFFFC000  }
0x42: {  	[spmem:s3] =	stream.indirect.scatter.add.f32 [tilespmem:s14], [sflag:$0x2], $0x80, s13, s13, $0xb8;
	[tilespmem:$0x17D00] =	vst v63  }
0x43: {  	_ =	swait.ge [sflag:s12], $0x4000  }
0x44: {  	s16 =	sadd.s32 $0x1, s16;
	[sflag:s12] =	ssyncset.done $0x0  }
0x45: {  	p0 =	sne.s32 s16, s8;
	[sflag:s12] =	ssyncadd.s32 $0xFFFFC000  }
.Ltmp1:
0x46: {  	[bflag:$0x0] =	sbarrier.arrive $0xFFFF;
	(pc) =	sbr.rel @p0 .LBB2_1-.Ltmp1, $4  }
0x47: {  	[hbm:s7], [sflag:s6] =	dma.local [spmem:s11], $0x2780  }
0x48: {  	_ =	swait.ge [sflag:s12], $0x2780  }
0x49: {  	[sflag:s12] =	ssyncset.done $0x0  }
0x4a: {  	[sflag:s12] =	ssyncadd.s32 $0xFFFFD880  }
0x4b: {  	_ =	sfence.sel $0x180000  }
0x4c: {  	[bflag:$0x0] =	sbarrier.arrive $0xFFFF  }
0x4d: {  	p0 =	sne.s32 s0, $0x0;
	_ =	strace $0x90000047  }
0x4e: {  	s0 =	sadd.s32 @!p0 $0x100000, s2;
	[bflag:$0x2] =	sbarrier.arrive $0xFFFF  }
0x4f: {  	[sflag:s0] =	ssyncadd.tile.s32 @!p0 $0x1;
	_ =	shalt  }
.Lfunc_end2:
_tile_overlayer_lowered:
.L_overlay_start_2:
0x50: {  	(tag) =	ssettag $0x2  }
0x51: {  	s0 =	rddreg [dreg:$0x0];
	s2 =	stileid.u32  }
0x52: {  	s1 =	rddreg [dreg:$0x1];
	p0 =	sne.s32 s2, $0x0  }
0x53: {  	s3 =	rddreg [dreg:$0x2];
	[bflag:$0x3] =	sbarrier.arrive $0xFFFF;
	s2 =	simm.s32 @!p0 $0x1C02  }
0x54: {  	[timem:s3], [sflag:s2] =	dma.local @!p0 [hbm:s0], s1  }
0x55: {  	s0 =	simm.s32 @!p0 $0x2  }
0x56: {  	_ =	swait.ge @!p0 [sflag:s0], s1  }
0x57: {  	s1 =	ssub.s32 @!p0 $0x0, s1;
	[sflag:s0] =	ssyncset.done @!p0 $0x0  }
0x58: {  	[sflag:s0] =	ssyncadd.s32 @!p0 s1  }
0x59: {  	[bflag:$0x3] =	sbarrier.arrive $0xFFFF  }
0x5a: {  	_ =	shalt  }

</sc_bundles>
